<compile_context>
chip_gen: v7x
topology: tpu7x:2x2x1
jax: 0.10.2.dev20260603
libtpu: 0.0.44.dev20260713+nightly
codegen_flags: <defaults>
</compile_context>

<pallas_src>
import functools

import jax
import jax.numpy as jnp
from jax import lax
from jax.experimental import pallas as pl
from jax.experimental.pallas import tpu as pltpu
from jax.experimental.pallas import tpu_sc as plsc

_CH = 64


def _sc_gather(table_lin, idx3, n_rows, d, nbuf=4):
    nw, n_ch, ch = idx3.shape
    per_w = n_ch * ch
    ngrp = n_ch // nbuf
    assert ngrp * nbuf == n_ch

    mesh = plsc.VectorSubcoreMesh(core_axis_name="c", subcore_axis_name="s")
    nc = 2

    @functools.partial(
        pl.kernel,
        mesh=mesh,
        compiler_params=pltpu.CompilerParams(use_tc_tiling_on_sc=False),
        out_type=jax.ShapeDtypeStruct((n_rows, d), jnp.float32),
        scratch_types=[
            pltpu.VMEM((n_ch, ch), jnp.int32),
            pltpu.VMEM((nbuf, ch, d), jnp.float32),
            [pltpu.SemaphoreType.DMA] * nbuf,
            [pltpu.SemaphoreType.DMA] * nbuf,
        ],
    )
    def k(tl_hbm, idx_hbm, out_hbm, idx_v, rows_v, gsems, osems):
        wid = lax.axis_index("s") * nc + lax.axis_index("c")
        base = wid * per_w
        pltpu.sync_copy(idx_hbm.at[wid], idx_v)

        def start_gather(j, b):
            pltpu.async_copy(tl_hbm.at[idx_v.at[j]], rows_v.at[b], gsems[b])

        def wait_gather(j, b):
            pltpu.make_async_copy(
                tl_hbm.at[idx_v.at[j]], rows_v.at[b], gsems[b]
            ).wait()

        def start_out(j, b):
            pltpu.async_copy(
                rows_v.at[b], out_hbm.at[pl.ds(base + j * ch, ch)], osems[b]
            )

        def wait_out(j, b):
            pltpu.make_async_copy(
                rows_v.at[b], out_hbm.at[pl.ds(base + j * ch, ch)], osems[b]
            ).wait()

        for b in range(nbuf):
            start_gather(b, b)

        def body(p, carry):
            for b in range(nbuf):
                j = p * nbuf + b
                wait_gather(j, b)
                start_out(j, b)

                @pl.when(p < ngrp - 1)
                def _():
                    wait_out(j, b)
                    start_gather(j + nbuf, b)

            return carry

        lax.fori_loop(0, ngrp, body, 0)

        jl = (ngrp - 1) * nbuf
        for b in range(nbuf):
            wait_out(jl + b, b)

    return k(table_lin, idx3)


def _tc_dense(g_flat, mask_col, fold, foldT, slotP, proj_W, proj_b, ln_g,
              ln_b, att_W1, att_b1, att_w2, B, N, H, GB):
    M = GB * N

    def body(g_ref, m_ref, q_ref, qt_ref, p_ref, W_ref, pb_ref, lg_ref,
             lb_ref, W1_ref, b1_ref, w2_ref, out_ref, attn_ref):
        x = g_ref[...]
        v = jnp.dot(x, W_ref[...], preferred_element_type=jnp.float32)
        v = jnp.maximum(v + pb_ref[...], 0.0)
        ones_col = jnp.full((H, 1), 1.0 / H, dtype=jnp.float32)
        mu = jnp.dot(v, ones_col, preferred_element_type=jnp.float32)
        m2 = jnp.dot(v * v, ones_col, preferred_element_type=jnp.float32)
        var = jnp.maximum(m2 - mu * mu, 0.0)
        v = (v - mu) * lax.rsqrt(var + 1e-5) * lg_ref[...] + lb_ref[...]
        h = jnp.tanh(
            jnp.dot(v, W1_ref[...], preferred_element_type=jnp.float32)
            + b1_ref[...]
        )
        s = jnp.dot(h, w2_ref[...], preferred_element_type=jnp.float32)
        m2df = m_ref[...].astype(jnp.float32)
        ones_n = jnp.full((N, 1), 1.0, dtype=jnp.float32)
        m_col = jnp.dot(
            jnp.dot(qt_ref[...], m2df, preferred_element_type=jnp.float32)
            * p_ref[...],
            ones_n, preferred_element_type=jnp.float32,
        )
        e = jnp.exp(s) * m_col
        denom_b = jnp.dot(
            q_ref[...], e, preferred_element_type=jnp.float32
        )
        denom_col = jnp.dot(
            qt_ref[...], denom_b, preferred_element_type=jnp.float32
        )
        w_col = e / denom_col
        attn_ref[...] = jnp.dot(
            q_ref[...], w_col * p_ref[...],
            preferred_element_type=jnp.float32,
        )
        out_ref[...] = jnp.dot(
            q_ref[...], w_col * v, preferred_element_type=jnp.float32
        )

    D = g_flat.shape[1]
    grid = (B // GB,)
    out, attn = pl.pallas_call(
        body,
        grid=grid,
        in_specs=[
            pl.BlockSpec((M, D), lambda i: (i, 0)),
            pl.BlockSpec((GB, N), lambda i: (i, 0)),
            pl.BlockSpec((GB, M), lambda i: (0, 0)),
            pl.BlockSpec((M, GB), lambda i: (0, 0)),
            pl.BlockSpec((M, N), lambda i: (0, 0)),
            pl.BlockSpec((D, H), lambda i: (0, 0)),
            pl.BlockSpec((1, H), lambda i: (0, 0)),
            pl.BlockSpec((1, H), lambda i: (0, 0)),
            pl.BlockSpec((1, H), lambda i: (0, 0)),
            pl.BlockSpec((H, H), lambda i: (0, 0)),
            pl.BlockSpec((1, H), lambda i: (0, 0)),
            pl.BlockSpec((H, 1), lambda i: (0, 0)),
        ],
        out_specs=(
            pl.BlockSpec((GB, H), lambda i: (i, 0)),
            pl.BlockSpec((GB, N), lambda i: (i, 0)),
        ),
        out_shape=(
            jax.ShapeDtypeStruct((B, H), jnp.float32),
            jax.ShapeDtypeStruct((B, N), jnp.float32),
        ),
    )(g_flat, mask_col, fold, foldT, slotP, proj_W, proj_b, ln_g, ln_b,
      att_W1, att_b1, att_w2)
    return out, attn


def kernel(neighbor_user_ids, neighbor_mask, emb_table, proj_W, proj_b,
           ln_g, ln_b, att_W1, att_b1, att_w2, att_b2):
    B, N = neighbor_user_ids.shape
    D = emb_table.shape[1]
    H = att_W1.shape[0]

    info = plsc.get_sparse_core_info()
    nw = info.num_cores * info.num_subcores
    total = B * N
    assert total % (nw * _CH) == 0 and (total * D) % 128 == 0
    idx3 = neighbor_user_ids.reshape(-1).astype(jnp.int32).reshape(nw, -1, _CH)
    flat = lax.optimization_barrier(emb_table.reshape(-1))
    table_lin = flat.reshape(emb_table.shape[0], D)

    gathered = _sc_gather(table_lin, idx3, total, D)

    GB = 128
    M = GB * N
    fold = (jax.lax.broadcasted_iota(jnp.int32, (GB, M), 1) // N
            == jax.lax.broadcasted_iota(jnp.int32, (GB, M), 0)
            ).astype(jnp.float32)
    slotP = (jax.lax.broadcasted_iota(jnp.int32, (M, N), 0) % N
             == jax.lax.broadcasted_iota(jnp.int32, (M, N), 1)
             ).astype(jnp.float32)
    mask_col = neighbor_mask.astype(jnp.int32)
    out, attn = _tc_dense(
        gathered, mask_col, fold, fold.T, slotP, proj_W,
        proj_b.reshape(1, H), ln_g.reshape(1, H), ln_b.reshape(1, H),
        att_W1, att_b1.reshape(1, H), att_w2, B, N, H, GB,
    )
    return out, attn

# --- scband reference (transcript-rebuilt; emitter-appended) ---
"""Pipeline reference for scband-neighbor-user-idrepresentation-29343216566520 (READ-ONLY COPY).

The authoritative reference and input builder live on the scoring server;
editing this copy changes nothing except your own understanding.
"""

import jax, jax.numpy as jnp
import numpy as np

NUM_USERS = 1000000
ID_DIM = 32
HIDDEN = 128
B = 4096
N = 50


def setup_inputs(seed: int = 0) -> dict:
    key = jax.random.key(seed)
    ks = jax.random.split(key, 12)
    neighbor_user_ids = jax.random.randint(ks[0], (B, N), 0, NUM_USERS)
    neighbor_mask = jax.random.randint(ks[1], (B, N), 0, 2).astype(bool)
    # guarantee at least one valid neighbor per row to avoid all-masked softmax
    neighbor_mask = neighbor_mask.at[:, 0].set(True)
    emb_table = jax.random.normal(ks[2], (NUM_USERS, ID_DIM), dtype=jnp.float32) * 0.02
    # padding_idx=0 -> zero row
    emb_table = emb_table.at[0].set(0.0)
    proj_W = jax.random.normal(ks[3], (ID_DIM, HIDDEN), dtype=jnp.float32) * (1.0 / np.sqrt(ID_DIM))
    proj_b = jnp.zeros((HIDDEN,), dtype=jnp.float32)
    ln_g = jnp.ones((HIDDEN,), dtype=jnp.float32)
    ln_b = jnp.zeros((HIDDEN,), dtype=jnp.float32)
    att_W1 = jax.random.normal(ks[4], (HIDDEN, HIDDEN), dtype=jnp.float32) * (1.0 / np.sqrt(HIDDEN))
    att_b1 = jnp.zeros((HIDDEN,), dtype=jnp.float32)
    att_w2 = jax.random.normal(ks[5], (HIDDEN, 1), dtype=jnp.float32) * (1.0 / np.sqrt(HIDDEN))
    att_b2 = jnp.zeros((1,), dtype=jnp.float32)
    return {
        'neighbor_user_ids': neighbor_user_ids,
        'neighbor_mask': neighbor_mask,
        'emb_table': emb_table,
        'proj_W': proj_W,
        'proj_b': proj_b,
        'ln_g': ln_g,
        'ln_b': ln_b,
        'att_W1': att_W1,
        'att_b1': att_b1,
        'att_w2': att_w2,
        'att_b2': att_b2,
    }


def _layer_norm(x, g, b, eps=1e-5):
    mu = jnp.mean(x, axis=-1, keepdims=True)
    var = jnp.mean((x - mu) ** 2, axis=-1, keepdims=True)
    return (x - mu) / jnp.sqrt(var + eps) * g + b


def reference(neighbor_user_ids, neighbor_mask, emb_table, proj_W, proj_b, ln_g, ln_b, att_W1, att_b1, att_w2, att_b2):
    # embedding lookup (padding_idx=0 row is zeros in the table)
    user_embeddings = jnp.take(emb_table, neighbor_user_ids, axis=0)  # [B, N, ID_DIM]
    # id_projection: Linear -> ReLU -> (Dropout eval = identity) -> LayerNorm
    v = jnp.einsum('bnd,dh->bnh', user_embeddings, proj_W) + proj_b
    v = jax.nn.relu(v)
    v = _layer_norm(v, ln_g, ln_b)  # [B, N, HIDDEN]
    # AttentiveAggregator: scores = Linear(tanh(Linear(v))) -> masked softmax -> weighted sum
    h = jnp.tanh(jnp.einsum('bnh,hk->bnk', v, att_W1) + att_b1)
    scores = (jnp.einsum('bnh,ho->bno', h, att_w2) + att_b2)[..., 0]  # [B, N]
    scores = jnp.where(neighbor_mask, scores, jnp.float32(-1e9))
    attention_weights = jax.nn.softmax(scores, axis=-1)  # [B, N]
    neighbor_user_id = jnp.sum(attention_weights[..., None] * v, axis=1)  # [B, HIDDEN]
    return neighbor_user_id, attention_weights

if __name__ == "__main__":
    import jax
    _d = setup_inputs()
    print(jax.jit(kernel)(*tuple(_d.values())))

</pallas_src>

<mosaic_0001>
#map = affine_map<(d0, d1) -> (0, 0)>
#map1 = affine_map<(d0, d1) -> (0, 0, 0)>
module attributes {stable_mosaic.version = 14 : i64} {
  func.func @k(%arg0: i32, %arg1: i32, %arg2: memref<1000000x32xf32, #tpu.memory_space<hbm>>, %arg3: memref<32x100x64xi32, #tpu.memory_space<hbm>>, %arg4: memref<204800x32xf32, #tpu.memory_space<hbm>>, %arg5: memref<100x64xi32, #tpu.memory_space<vmem>>, %arg6: memref<4x64x32xf32, #tpu.memory_space<vmem>>, %arg7: memref<!tpu.dma_semaphore, #tpu.memory_space<semaphore_mem>>, %arg8: memref<!tpu.dma_semaphore, #tpu.memory_space<semaphore_mem>>, %arg9: memref<!tpu.dma_semaphore, #tpu.memory_space<semaphore_mem>>, %arg10: memref<!tpu.dma_semaphore, #tpu.memory_space<semaphore_mem>>, %arg11: memref<!tpu.dma_semaphore, #tpu.memory_space<semaphore_mem>>, %arg12: memref<!tpu.dma_semaphore, #tpu.memory_space<semaphore_mem>>, %arg13: memref<!tpu.dma_semaphore, #tpu.memory_space<semaphore_mem>>, %arg14: memref<!tpu.dma_semaphore, #tpu.memory_space<semaphore_mem>>) attributes {dimension_semantics = [#tpu.dimension_semantics<core_parallel>, #tpu.dimension_semantics<subcore_parallel>], iteration_bounds = array<i64: 2, 16>, scalar_prefetch = 0 : i64, scratch_operands = 10 : i64, tpu.core_type = #tpu.core_type<sc_vector_subcore>, window_params = [{transform_indices = #map}, {transform_indices = #map1}, {transform_indices = #map}]} {
    %mul3A = arith.constant 2 : i32
    %mul3A_0 = arith.muli %arg1, %mul3A : i32
    %add3A = arith.addi %mul3A_0, %arg0 : i32
    %mul3A_1 = arith.constant 6400 : i32
    %mul3A_2 = arith.muli %add3A, %mul3A_1 : i32
    "tpu.region"() ({
      %run_scoped3A = tpu.sem_alloc : memref<!tpu.dma_semaphore, #tpu.memory_space<semaphore_mem>>
      %dma_start3A_114 = arith.constant 0 : i32
      %dma_start3A_115 = arith.constant 0 : i32
      %dma_start3A_116 = tpu.memref_slice %arg3[%add3A, %dma_start3A_114, %dma_start3A_115] : memref<32x100x64xi32, #tpu.memory_space<hbm>> -> memref<1x100x64xi32, #tpu.memory_space<hbm>>
      %dma_start3A_117 = tpu.memref_squeeze %dma_start3A_116 : memref<1x100x64xi32, #tpu.memory_space<hbm>> -> memref<100x64xi32, #tpu.memory_space<hbm>>
      %dma_start3A_118 = arith.constant 0 : i32
      %dma_start3A_119 = arith.constant 0 : i32
      %dma_start3A_120 = tpu.memref_slice %arg3[%add3A, %dma_start3A_118, %dma_start3A_119] : memref<32x100x64xi32, #tpu.memory_space<hbm>> -> memref<1x100x64xi32, #tpu.memory_space<hbm>>
      %dma_start3A_121 = tpu.memref_squeeze %dma_start3A_120 : memref<1x100x64xi32, #tpu.memory_space<hbm>> -> memref<100x64xi32, #tpu.memory_space<hbm>>
      tpu.enqueue_dma source(%dma_start3A_121 : memref<100x64xi32, #tpu.memory_space<hbm>>) target(%arg5 : memref<100x64xi32, #tpu.memory_space<vmem>>) target_semaphore(%run_scoped3A : memref<!tpu.dma_semaphore, #tpu.memory_space<semaphore_mem>>)
      %dma_wait3A_122 = arith.constant 0 : i32
      %dma_wait3A_123 = arith.constant 0 : i32
      %dma_wait3A_124 = tpu.memref_slice %arg3[%add3A, %dma_wait3A_122, %dma_wait3A_123] : memref<32x100x64xi32, #tpu.memory_space<hbm>> -> memref<1x100x64xi32, #tpu.memory_space<hbm>>
      %dma_wait3A_125 = tpu.memref_squeeze %dma_wait3A_124 : memref<1x100x64xi32, #tpu.memory_space<hbm>> -> memref<100x64xi32, #tpu.memory_space<hbm>>
      %dma_wait3A_126 = arith.constant 0 : i32
      %dma_wait3A_127 = arith.constant 0 : i32
      %dma_wait3A_128 = tpu.memref_slice %arg3[%add3A, %dma_wait3A_126, %dma_wait3A_127] : memref<32x100x64xi32, #tpu.memory_space<hbm>> -> memref<1x100x64xi32, #tpu.memory_space<hbm>>
      %dma_wait3A_129 = tpu.memref_squeeze %dma_wait3A_128 : memref<1x100x64xi32, #tpu.memory_space<hbm>> -> memref<100x64xi32, #tpu.memory_space<hbm>>
      tpu.wait_dma2 semaphore(%run_scoped3A : memref<!tpu.dma_semaphore, #tpu.memory_space<semaphore_mem>>) src(%dma_wait3A_129 : memref<100x64xi32, #tpu.memory_space<hbm>>) dst(%arg5 : memref<100x64xi32, #tpu.memory_space<vmem>>)
      tpu.yield
    }) : () -> ()
    %dma_start3A = arith.constant 0 : i32
    %dma_start3A_3 = arith.constant 0 : i32
    %dma_start3A_4 = arith.constant 0 : i32
    %dma_start3A_5 = arith.constant 0 : i32
    %dma_start3A_6 = tpu.memref_slice %arg6[%dma_start3A_3, %dma_start3A_4, %dma_start3A_5] : memref<4x64x32xf32, #tpu.memory_space<vmem>> -> memref<1x64x32xf32, #tpu.memory_space<vmem>>
    %dma_start3A_7 = tpu.memref_squeeze %dma_start3A_6 : memref<1x64x32xf32, #tpu.memory_space<vmem>> -> memref<64x32xf32, #tpu.memory_space<vmem>>
    %dma_start3A_8 = arith.constant 0 : i32
    %dma_start3A_9 = tpu.memref_slice %arg5[%dma_start3A, %dma_start3A_8] : memref<100x64xi32, #tpu.memory_space<vmem>> -> memref<1x64xi32, #tpu.memory_space<vmem>>
    %dma_start3A_10 = tpu.memref_squeeze %dma_start3A_9 : memref<1x64xi32, #tpu.memory_space<vmem>> -> memref<64xi32, #tpu.memory_space<vmem>>
    %dma_start3A_11 = arith.constant 0 : i32
    %dma_start3A_12 = arith.constant 0 : i32
    %dma_start3A_13 = tpu.memref_slice %arg2[%dma_start3A_11, %dma_start3A_12] : memref<1000000x32xf32, #tpu.memory_space<hbm>> -> memref<1000000x32xf32, #tpu.memory_space<hbm>>
    tpu.enqueue_indirect_dma source(%dma_start3A_13 : memref<1000000x32xf32, #tpu.memory_space<hbm>>) target(%dma_start3A_7 : memref<64x32xf32, #tpu.memory_space<vmem>>) offsets(%dma_start3A_10 : memref<64xi32, #tpu.memory_space<vmem>>) semaphore(%arg7 : memref<!tpu.dma_semaphore, #tpu.memory_space<semaphore_mem>>)
    %dma_start3A_14 = arith.constant 1 : i32
    %dma_start3A_15 = arith.constant 1 : i32
    %dma_start3A_16 = arith.constant 0 : i32
    %dma_start3A_17 = arith.constant 0 : i32
    %dma_start3A_18 = tpu.memref_slice %arg6[%dma_start3A_15, %dma_start3A_16, %dma_start3A_17] : memref<4x64x32xf32, #tpu.memory_space<vmem>> -> memref<1x64x32xf32, #tpu.memory_space<vmem>>
    %dma_start3A_19 = tpu.memref_squeeze %dma_start3A_18 : memref<1x64x32xf32, #tpu.memory_space<vmem>> -> memref<64x32xf32, #tpu.memory_space<vmem>>
    %dma_start3A_20 = arith.constant 0 : i32
    %dma_start3A_21 = tpu.memref_slice %arg5[%dma_start3A_14, %dma_start3A_20] : memref<100x64xi32, #tpu.memory_space<vmem>> -> memref<1x64xi32, #tpu.memory_space<vmem>>
    %dma_start3A_22 = tpu.memref_squeeze %dma_start3A_21 : memref<1x64xi32, #tpu.memory_space<vmem>> -> memref<64xi32, #tpu.memory_space<vmem>>
    %dma_start3A_23 = arith.constant 0 : i32
    %dma_start3A_24 = arith.constant 0 : i32
    %dma_start3A_25 = tpu.memref_slice %arg2[%dma_start3A_23, %dma_start3A_24] : memref<1000000x32xf32, #tpu.memory_space<hbm>> -> memref<1000000x32xf32, #tpu.memory_space<hbm>>
    tpu.enqueue_indirect_dma source(%dma_start3A_25 : memref<1000000x32xf32, #tpu.memory_space<hbm>>) target(%dma_start3A_19 : memref<64x32xf32, #tpu.memory_space<vmem>>) offsets(%dma_start3A_22 : memref<64xi32, #tpu.memory_space<vmem>>) semaphore(%arg8 : memref<!tpu.dma_semaphore, #tpu.memory_space<semaphore_mem>>)
    %dma_start3A_26 = arith.constant 2 : i32
    %dma_start3A_27 = arith.constant 2 : i32
    %dma_start3A_28 = arith.constant 0 : i32
    %dma_start3A_29 = arith.constant 0 : i32
    %dma_start3A_30 = tpu.memref_slice %arg6[%dma_start3A_27, %dma_start3A_28, %dma_start3A_29] : memref<4x64x32xf32, #tpu.memory_space<vmem>> -> memref<1x64x32xf32, #tpu.memory_space<vmem>>
    %dma_start3A_31 = tpu.memref_squeeze %dma_start3A_30 : memref<1x64x32xf32, #tpu.memory_space<vmem>> -> memref<64x32xf32, #tpu.memory_space<vmem>>
    %dma_start3A_32 = arith.constant 0 : i32
    %dma_start3A_33 = tpu.memref_slice %arg5[%dma_start3A_26, %dma_start3A_32] : memref<100x64xi32, #tpu.memory_space<vmem>> -> memref<1x64xi32, #tpu.memory_space<vmem>>
    %dma_start3A_34 = tpu.memref_squeeze %dma_start3A_33 : memref<1x64xi32, #tpu.memory_space<vmem>> -> memref<64xi32, #tpu.memory_space<vmem>>
    %dma_start3A_35 = arith.constant 0 : i32
    %dma_start3A_36 = arith.constant 0 : i32
    %dma_start3A_37 = tpu.memref_slice %arg2[%dma_start3A_35, %dma_start3A_36] : memref<1000000x32xf32, #tpu.memory_space<hbm>> -> memref<1000000x32xf32, #tpu.memory_space<hbm>>
    tpu.enqueue_indirect_dma source(%dma_start3A_37 : memref<1000000x32xf32, #tpu.memory_space<hbm>>) target(%dma_start3A_31 : memref<64x32xf32, #tpu.memory_space<vmem>>) offsets(%dma_start3A_34 : memref<64xi32, #tpu.memory_space<vmem>>) semaphore(%arg9 : memref<!tpu.dma_semaphore, #tpu.memory_space<semaphore_mem>>)
    %dma_start3A_38 = arith.constant 3 : i32
    %dma_start3A_39 = arith.constant 3 : i32
    %dma_start3A_40 = arith.constant 0 : i32
    %dma_start3A_41 = arith.constant 0 : i32
    %dma_start3A_42 = tpu.memref_slice %arg6[%dma_start3A_39, %dma_start3A_40, %dma_start3A_41] : memref<4x64x32xf32, #tpu.memory_space<vmem>> -> memref<1x64x32xf32, #tpu.memory_space<vmem>>
    %dma_start3A_43 = tpu.memref_squeeze %dma_start3A_42 : memref<1x64x32xf32, #tpu.memory_space<vmem>> -> memref<64x32xf32, #tpu.memory_space<vmem>>
    %dma_start3A_44 = arith.constant 0 : i32
    %dma_start3A_45 = tpu.memref_slice %arg5[%dma_start3A_38, %dma_start3A_44] : memref<100x64xi32, #tpu.memory_space<vmem>> -> memref<1x64xi32, #tpu.memory_space<vmem>>
    %dma_start3A_46 = tpu.memref_squeeze %dma_start3A_45 : memref<1x64xi32, #tpu.memory_space<vmem>> -> memref<64xi32, #tpu.memory_space<vmem>>
    %dma_start3A_47 = arith.constant 0 : i32
    %dma_start3A_48 = arith.constant 0 : i32
    %dma_start3A_49 = tpu.memref_slice %arg2[%dma_start3A_47, %dma_start3A_48] : memref<1000000x32xf32, #tpu.memory_space<hbm>> -> memref<1000000x32xf32, #tpu.memory_space<hbm>>
    tpu.enqueue_indirect_dma source(%dma_start3A_49 : memref<1000000x32xf32, #tpu.memory_space<hbm>>) target(%dma_start3A_43 : memref<64x32xf32, #tpu.memory_space<vmem>>) offsets(%dma_start3A_46 : memref<64xi32, #tpu.memory_space<vmem>>) semaphore(%arg10 : memref<!tpu.dma_semaphore, #tpu.memory_space<semaphore_mem>>)
    %scan3A = arith.constant 0 : i32
    %scan3A_50 = arith.constant 0 : i32
    %scan3A_51 = arith.constant 25 : i32
    %scan3A_52 = arith.addi %scan3A_50, %scan3A_51 : i32
    %scan3A_53 = arith.constant 1 : i32
    scf.for %scan3A_114 = %scan3A_50 to %scan3A_52 step %scan3A_53  : i32 {
      %mul3A_115 = arith.constant 4 : i32
      %mul3A_116 = arith.muli %scan3A_114, %mul3A_115 : i32
      %add3A_117 = arith.constant 0 : i32
      %add3A_118 = arith.addi %mul3A_116, %add3A_117 : i32
      %dma_wait3A_119 = arith.constant 0 : i32
      %dma_wait3A_120 = arith.constant 0 : i32
      %dma_wait3A_121 = arith.constant 0 : i32
      %dma_wait3A_122 = tpu.memref_slice %arg6[%dma_wait3A_119, %dma_wait3A_120, %dma_wait3A_121] : memref<4x64x32xf32, #tpu.memory_space<vmem>> -> memref<1x64x32xf32, #tpu.memory_space<vmem>>
      %dma_wait3A_123 = tpu.memref_squeeze %dma_wait3A_122 : memref<1x64x32xf32, #tpu.memory_space<vmem>> -> memref<64x32xf32, #tpu.memory_space<vmem>>
      %dma_wait3A_124 = arith.constant 0 : i32
      %dma_wait3A_125 = tpu.memref_slice %arg5[%add3A_118, %dma_wait3A_124] : memref<100x64xi32, #tpu.memory_space<vmem>> -> memref<1x64xi32, #tpu.memory_space<vmem>>
      %dma_wait3A_126 = tpu.memref_squeeze %dma_wait3A_125 : memref<1x64xi32, #tpu.memory_space<vmem>> -> memref<64xi32, #tpu.memory_space<vmem>>
      %dma_wait3A_127 = arith.constant 0 : i32
      %dma_wait3A_128 = arith.constant 0 : i32
      %dma_wait3A_129 = tpu.memref_slice %arg2[%dma_wait3A_127, %dma_wait3A_128] : memref<1000000x32xf32, #tpu.memory_space<hbm>> -> memref<1000000x32xf32, #tpu.memory_space<hbm>>
      tpu.wait_indirect_dma semaphore(%arg7 : memref<!tpu.dma_semaphore, #tpu.memory_space<semaphore_mem>>) src(%dma_wait3A_129 : memref<1000000x32xf32, #tpu.memory_space<hbm>>) dst(%dma_wait3A_123 : memref<64x32xf32, #tpu.memory_space<vmem>>)
      %mul3A_130 = arith.constant 64 : i32
      %mul3A_131 = arith.muli %add3A_118, %mul3A_130 : i32
      %add3A_132 = arith.addi %mul3A_2, %mul3A_131 : i32
      %dma_start3A_133 = arith.constant 0 : i32
      %dma_start3A_134 = arith.constant 0 : i32
      %dma_start3A_135 = arith.constant 0 : i32
      %dma_start3A_136 = tpu.memref_slice %arg6[%dma_start3A_133, %dma_start3A_134, %dma_start3A_135] : memref<4x64x32xf32, #tpu.memory_space<vmem>> -> memref<1x64x32xf32, #tpu.memory_space<vmem>>
      %dma_start3A_137 = tpu.memref_squeeze %dma_start3A_136 : memref<1x64x32xf32, #tpu.memory_space<vmem>> -> memref<64x32xf32, #tpu.memory_space<vmem>>
      %dma_start3A_138 = arith.constant 0 : i32
      %dma_start3A_139 = tpu.memref_slice %arg4[%add3A_132, %dma_start3A_138] : memref<204800x32xf32, #tpu.memory_space<hbm>> -> memref<64x32xf32, #tpu.memory_space<hbm>>
      %dma_start3A_140 = arith.constant 0 : i32
      %dma_start3A_141 = tpu.memref_slice %arg4[%add3A_132, %dma_start3A_140] : memref<204800x32xf32, #tpu.memory_space<hbm>> -> memref<64x32xf32, #tpu.memory_space<hbm>>
      %dma_start3A_142 = arith.constant 0 : i32
      %dma_start3A_143 = arith.constant 0 : i32
      %dma_start3A_144 = tpu.memref_slice %arg6[%dma_start3A_133, %dma_start3A_142, %dma_start3A_143] : memref<4x64x32xf32, #tpu.memory_space<vmem>> -> memref<1x64x32xf32, #tpu.memory_space<vmem>>
      %dma_start3A_145 = tpu.memref_squeeze %dma_start3A_144 : memref<1x64x32xf32, #tpu.memory_space<vmem>> -> memref<64x32xf32, #tpu.memory_space<vmem>>
      tpu.enqueue_dma source(%dma_start3A_145 : memref<64x32xf32, #tpu.memory_space<vmem>>) target(%dma_start3A_141 : memref<64x32xf32, #tpu.memory_space<hbm>>) target_semaphore(%arg11 : memref<!tpu.dma_semaphore, #tpu.memory_space<semaphore_mem>>)
      %lt3A = arith.constant 24 : i32
      %lt3A_146 = arith.cmpi slt, %scan3A_114, %lt3A : i32
      %convert_element_type3A = arith.extui %lt3A_146 : i1 to i32
      %cond3A = arith.constant 0 : i32
      %cond3A_147 = arith.cmpi ne, %convert_element_type3A, %cond3A : i32
      scf.if %cond3A_147 {
        %mul3A_256 = arith.constant 64 : i32
        %mul3A_257 = arith.muli %add3A_118, %mul3A_256 : i32
        %add3A_258 = arith.addi %mul3A_2, %mul3A_257 : i32
        %dma_wait3A_259 = arith.constant 0 : i32
        %dma_wait3A_260 = arith.constant 0 : i32
        %dma_wait3A_261 = arith.constant 0 : i32
        %dma_wait3A_262 = tpu.memref_slice %arg6[%dma_wait3A_259, %dma_wait3A_260, %dma_wait3A_261] : memref<4x64x32xf32, #tpu.memory_space<vmem>> -> memref<1x64x32xf32, #tpu.memory_space<vmem>>
        %dma_wait3A_263 = tpu.memref_squeeze %dma_wait3A_262 : memref<1x64x32xf32, #tpu.memory_space<vmem>> -> memref<64x32xf32, #tpu.memory_space<vmem>>
        %dma_wait3A_264 = arith.constant 0 : i32
        %dma_wait3A_265 = tpu.memref_slice %arg4[%add3A_258, %dma_wait3A_264] : memref<204800x32xf32, #tpu.memory_space<hbm>> -> memref<64x32xf32, #tpu.memory_space<hbm>>
        %dma_wait3A_266 = arith.constant 0 : i32
        %dma_wait3A_267 = tpu.memref_slice %arg4[%add3A_258, %dma_wait3A_266] : memref<204800x32xf32, #tpu.memory_space<hbm>> -> memref<64x32xf32, #tpu.memory_space<hbm>>
        %dma_wait3A_268 = arith.constant 0 : i32
        %dma_wait3A_269 = arith.constant 0 : i32
        %dma_wait3A_270 = tpu.memref_slice %arg6[%dma_wait3A_259, %dma_wait3A_268, %dma_wait3A_269] : memref<4x64x32xf32, #tpu.memory_space<vmem>> -> memref<1x64x32xf32, #tpu.memory_space<vmem>>
        %dma_wait3A_271 = tpu.memref_squeeze %dma_wait3A_270 : memref<1x64x32xf32, #tpu.memory_space<vmem>> -> memref<64x32xf32, #tpu.memory_space<vmem>>
        tpu.wait_dma2 semaphore(%arg11 : memref<!tpu.dma_semaphore, #tpu.memory_space<semaphore_mem>>) src(%dma_wait3A_271 : memref<64x32xf32, #tpu.memory_space<vmem>>) dst(%dma_wait3A_267 : memref<64x32xf32, #tpu.memory_space<hbm>>)
        %add3A_272 = arith.constant 4 : i32
        %add3A_273 = arith.addi %add3A_118, %add3A_272 : i32
        %dma_start3A_274 = arith.constant 0 : i32
        %dma_start3A_275 = arith.constant 0 : i32
        %dma_start3A_276 = arith.constant 0 : i32
        %dma_start3A_277 = tpu.memref_slice %arg6[%dma_start3A_274, %dma_start3A_275, %dma_start3A_276] : memref<4x64x32xf32, #tpu.memory_space<vmem>> -> memref<1x64x32xf32, #tpu.memory_space<vmem>>
        %dma_start3A_278 = tpu.memref_squeeze %dma_start3A_277 : memref<1x64x32xf32, #tpu.memory_space<vmem>> -> memref<64x32xf32, #tpu.memory_space<vmem>>
        %dma_start3A_279 = arith.constant 0 : i32
        %dma_start3A_280 = tpu.memref_slice %arg5[%add3A_273, %dma_start3A_279] : memref<100x64xi32, #tpu.memory_space<vmem>> -> memref<1x64xi32, #tpu.memory_space<vmem>>
        %dma_start3A_281 = tpu.memref_squeeze %dma_start3A_280 : memref<1x64xi32, #tpu.memory_space<vmem>> -> memref<64xi32, #tpu.memory_space<vmem>>
        %dma_start3A_282 = arith.constant 0 : i32
        %dma_start3A_283 = arith.constant 0 : i32
        %dma_start3A_284 = tpu.memref_slice %arg2[%dma_start3A_282, %dma_start3A_283] : memref<1000000x32xf32, #tpu.memory_space<hbm>> -> memref<1000000x32xf32, #tpu.memory_space<hbm>>
        tpu.enqueue_indirect_dma source(%dma_start3A_284 : memref<1000000x32xf32, #tpu.memory_space<hbm>>) target(%dma_start3A_278 : memref<64x32xf32, #tpu.memory_space<vmem>>) offsets(%dma_start3A_281 : memref<64xi32, #tpu.memory_space<vmem>>) semaphore(%arg7 : memref<!tpu.dma_semaphore, #tpu.memory_space<semaphore_mem>>)
      } else {
      }
      %mul3A_148 = arith.constant 4 : i32
      %mul3A_149 = arith.muli %scan3A_114, %mul3A_148 : i32
      %add3A_150 = arith.constant 1 : i32
      %add3A_151 = arith.addi %mul3A_149, %add3A_150 : i32
      %dma_wait3A_152 = arith.constant 1 : i32
      %dma_wait3A_153 = arith.constant 0 : i32
      %dma_wait3A_154 = arith.constant 0 : i32
      %dma_wait3A_155 = tpu.memref_slice %arg6[%dma_wait3A_152, %dma_wait3A_153, %dma_wait3A_154] : memref<4x64x32xf32, #tpu.memory_space<vmem>> -> memref<1x64x32xf32, #tpu.memory_space<vmem>>
      %dma_wait3A_156 = tpu.memref_squeeze %dma_wait3A_155 : memref<1x64x32xf32, #tpu.memory_space<vmem>> -> memref<64x32xf32, #tpu.memory_space<vmem>>
      %dma_wait3A_157 = arith.constant 0 : i32
      %dma_wait3A_158 = tpu.memref_slice %arg5[%add3A_151, %dma_wait3A_157] : memref<100x64xi32, #tpu.memory_space<vmem>> -> memref<1x64xi32, #tpu.memory_space<vmem>>
      %dma_wait3A_159 = tpu.memref_squeeze %dma_wait3A_158 : memref<1x64xi32, #tpu.memory_space<vmem>> -> memref<64xi32, #tpu.memory_space<vmem>>
      %dma_wait3A_160 = arith.constant 0 : i32
      %dma_wait3A_161 = arith.constant 0 : i32
      %dma_wait3A_162 = tpu.memref_slice %arg2[%dma_wait3A_160, %dma_wait3A_161] : memref<1000000x32xf32, #tpu.memory_space<hbm>> -> memref<1000000x32xf32, #tpu.memory_space<hbm>>
      tpu.wait_indirect_dma semaphore(%arg8 : memref<!tpu.dma_semaphore, #tpu.memory_space<semaphore_mem>>) src(%dma_wait3A_162 : memref<1000000x32xf32, #tpu.memory_space<hbm>>) dst(%dma_wait3A_156 : memref<64x32xf32, #tpu.memory_space<vmem>>)
      %mul3A_163 = arith.constant 64 : i32
      %mul3A_164 = arith.muli %add3A_151, %mul3A_163 : i32
      %add3A_165 = arith.addi %mul3A_2, %mul3A_164 : i32
      %dma_start3A_166 = arith.constant 1 : i32
      %dma_start3A_167 = arith.constant 0 : i32
      %dma_start3A_168 = arith.constant 0 : i32
      %dma_start3A_169 = tpu.memref_slice %arg6[%dma_start3A_166, %dma_start3A_167, %dma_start3A_168] : memref<4x64x32xf32, #tpu.memory_space<vmem>> -> memref<1x64x32xf32, #tpu.memory_space<vmem>>
      %dma_start3A_170 = tpu.memref_squeeze %dma_start3A_169 : memref<1x64x32xf32, #tpu.memory_space<vmem>> -> memref<64x32xf32, #tpu.memory_space<vmem>>
      %dma_start3A_171 = arith.constant 0 : i32
      %dma_start3A_172 = tpu.memref_slice %arg4[%add3A_165, %dma_start3A_171] : memref<204800x32xf32, #tpu.memory_space<hbm>> -> memref<64x32xf32, #tpu.memory_space<hbm>>
      %dma_start3A_173 = arith.constant 0 : i32
      %dma_start3A_174 = tpu.memref_slice %arg4[%add3A_165, %dma_start3A_173] : memref<204800x32xf32, #tpu.memory_space<hbm>> -> memref<64x32xf32, #tpu.memory_space<hbm>>
      %dma_start3A_175 = arith.constant 0 : i32
      %dma_start3A_176 = arith.constant 0 : i32
      %dma_start3A_177 = tpu.memref_slice %arg6[%dma_start3A_166, %dma_start3A_175, %dma_start3A_176] : memref<4x64x32xf32, #tpu.memory_space<vmem>> -> memref<1x64x32xf32, #tpu.memory_space<vmem>>
      %dma_start3A_178 = tpu.memref_squeeze %dma_start3A_177 : memref<1x64x32xf32, #tpu.memory_space<vmem>> -> memref<64x32xf32, #tpu.memory_space<vmem>>
      tpu.enqueue_dma source(%dma_start3A_178 : memref<64x32xf32, #tpu.memory_space<vmem>>) target(%dma_start3A_174 : memref<64x32xf32, #tpu.memory_space<hbm>>) target_semaphore(%arg12 : memref<!tpu.dma_semaphore, #tpu.memory_space<semaphore_mem>>)
      %lt3A_179 = arith.constant 24 : i32
      %lt3A_180 = arith.cmpi slt, %scan3A_114, %lt3A_179 : i32
      %convert_element_type3A_181 = arith.extui %lt3A_180 : i1 to i32
      %cond3A_182 = arith.constant 0 : i32
      %cond3A_183 = arith.cmpi ne, %convert_element_type3A_181, %cond3A_182 : i32
      scf.if %cond3A_183 {
        %mul3A_256 = arith.constant 64 : i32
        %mul3A_257 = arith.muli %add3A_151, %mul3A_256 : i32
        %add3A_258 = arith.addi %mul3A_2, %mul3A_257 : i32
        %dma_wait3A_259 = arith.constant 1 : i32
        %dma_wait3A_260 = arith.constant 0 : i32
        %dma_wait3A_261 = arith.constant 0 : i32
        %dma_wait3A_262 = tpu.memref_slice %arg6[%dma_wait3A_259, %dma_wait3A_260, %dma_wait3A_261] : memref<4x64x32xf32, #tpu.memory_space<vmem>> -> memref<1x64x32xf32, #tpu.memory_space<vmem>>
        %dma_wait3A_263 = tpu.memref_squeeze %dma_wait3A_262 : memref<1x64x32xf32, #tpu.memory_space<vmem>> -> memref<64x32xf32, #tpu.memory_space<vmem>>
        %dma_wait3A_264 = arith.constant 0 : i32
        %dma_wait3A_265 = tpu.memref_slice %arg4[%add3A_258, %dma_wait3A_264] : memref<204800x32xf32, #tpu.memory_space<hbm>> -> memref<64x32xf32, #tpu.memory_space<hbm>>
        %dma_wait3A_266 = arith.constant 0 : i32
        %dma_wait3A_267 = tpu.memref_slice %arg4[%add3A_258, %dma_wait3A_266] : memref<204800x32xf32, #tpu.memory_space<hbm>> -> memref<64x32xf32, #tpu.memory_space<hbm>>
        %dma_wait3A_268 = arith.constant 0 : i32
        %dma_wait3A_269 = arith.constant 0 : i32
        %dma_wait3A_270 = tpu.memref_slice %arg6[%dma_wait3A_259, %dma_wait3A_268, %dma_wait3A_269] : memref<4x64x32xf32, #tpu.memory_space<vmem>> -> memref<1x64x32xf32, #tpu.memory_space<vmem>>
        %dma_wait3A_271 = tpu.memref_squeeze %dma_wait3A_270 : memref<1x64x32xf32, #tpu.memory_space<vmem>> -> memref<64x32xf32, #tpu.memory_space<vmem>>
        tpu.wait_dma2 semaphore(%arg12 : memref<!tpu.dma_semaphore, #tpu.memory_space<semaphore_mem>>) src(%dma_wait3A_271 : memref<64x32xf32, #tpu.memory_space<vmem>>) dst(%dma_wait3A_267 : memref<64x32xf32, #tpu.memory_space<hbm>>)
        %add3A_272 = arith.constant 4 : i32
        %add3A_273 = arith.addi %add3A_151, %add3A_272 : i32
        %dma_start3A_274 = arith.constant 1 : i32
        %dma_start3A_275 = arith.constant 0 : i32
        %dma_start3A_276 = arith.constant 0 : i32
        %dma_start3A_277 = tpu.memref_slice %arg6[%dma_start3A_274, %dma_start3A_275, %dma_start3A_276] : memref<4x64x32xf32, #tpu.memory_space<vmem>> -> memref<1x64x32xf32, #tpu.memory_space<vmem>>
        %dma_start3A_278 = tpu.memref_squeeze %dma_start3A_277 : memref<1x64x32xf32, #tpu.memory_space<vmem>> -> memref<64x32xf32, #tpu.memory_space<vmem>>
        %dma_start3A_279 = arith.constant 0 : i32
        %dma_start3A_280 = tpu.memref_slice %arg5[%add3A_273, %dma_start3A_279] : memref<100x64xi32, #tpu.memory_space<vmem>> -> memref<1x64xi32, #tpu.memory_space<vmem>>
        %dma_start3A_281 = tpu.memref_squeeze %dma_start3A_280 : memref<1x64xi32, #tpu.memory_space<vmem>> -> memref<64xi32, #tpu.memory_space<vmem>>
        %dma_start3A_282 = arith.constant 0 : i32
        %dma_start3A_283 = arith.constant 0 : i32
        %dma_start3A_284 = tpu.memref_slice %arg2[%dma_start3A_282, %dma_start3A_283] : memref<1000000x32xf32, #tpu.memory_space<hbm>> -> memref<1000000x32xf32, #tpu.memory_space<hbm>>
        tpu.enqueue_indirect_dma source(%dma_start3A_284 : memref<1000000x32xf32, #tpu.memory_space<hbm>>) target(%dma_start3A_278 : memref<64x32xf32, #tpu.memory_space<vmem>>) offsets(%dma_start3A_281 : memref<64xi32, #tpu.memory_space<vmem>>) semaphore(%arg8 : memref<!tpu.dma_semaphore, #tpu.memory_space<semaphore_mem>>)
      } else {
      }
      %mul3A_184 = arith.constant 4 : i32
      %mul3A_185 = arith.muli %scan3A_114, %mul3A_184 : i32
      %add3A_186 = arith.constant 2 : i32
      %add3A_187 = arith.addi %mul3A_185, %add3A_186 : i32
      %dma_wait3A_188 = arith.constant 2 : i32
      %dma_wait3A_189 = arith.constant 0 : i32
      %dma_wait3A_190 = arith.constant 0 : i32
      %dma_wait3A_191 = tpu.memref_slice %arg6[%dma_wait3A_188, %dma_wait3A_189, %dma_wait3A_190] : memref<4x64x32xf32, #tpu.memory_space<vmem>> -> memref<1x64x32xf32, #tpu.memory_space<vmem>>
      %dma_wait3A_192 = tpu.memref_squeeze %dma_wait3A_191 : memref<1x64x32xf32, #tpu.memory_space<vmem>> -> memref<64x32xf32, #tpu.memory_space<vmem>>
      %dma_wait3A_193 = arith.constant 0 : i32
      %dma_wait3A_194 = tpu.memref_slice %arg5[%add3A_187, %dma_wait3A_193] : memref<100x64xi32, #tpu.memory_space<vmem>> -> memref<1x64xi32, #tpu.memory_space<vmem>>
      %dma_wait3A_195 = tpu.memref_squeeze %dma_wait3A_194 : memref<1x64xi32, #tpu.memory_space<vmem>> -> memref<64xi32, #tpu.memory_space<vmem>>
      %dma_wait3A_196 = arith.constant 0 : i32
      %dma_wait3A_197 = arith.constant 0 : i32
      %dma_wait3A_198 = tpu.memref_slice %arg2[%dma_wait3A_196, %dma_wait3A_197] : memref<1000000x32xf32, #tpu.memory_space<hbm>> -> memref<1000000x32xf32, #tpu.memory_space<hbm>>
      tpu.wait_indirect_dma semaphore(%arg9 : memref<!tpu.dma_semaphore, #tpu.memory_space<semaphore_mem>>) src(%dma_wait3A_198 : memref<1000000x32xf32, #tpu.memory_space<hbm>>) dst(%dma_wait3A_192 : memref<64x32xf32, #tpu.memory_space<vmem>>)
      %mul3A_199 = arith.constant 64 : i32
      %mul3A_200 = arith.muli %add3A_187, %mul3A_199 : i32
      %add3A_201 = arith.addi %mul3A_2, %mul3A_200 : i32
      %dma_start3A_202 = arith.constant 2 : i32
      %dma_start3A_203 = arith.constant 0 : i32
      %dma_start3A_204 = arith.constant 0 : i32
      %dma_start3A_205 = tpu.memref_slice %arg6[%dma_start3A_202, %dma_start3A_203, %dma_start3A_204] : memref<4x64x32xf32, #tpu.memory_space<vmem>> -> memref<1x64x32xf32, #tpu.memory_space<vmem>>
      %dma_start3A_206 = tpu.memref_squeeze %dma_start3A_205 : memref<1x64x32xf32, #tpu.memory_space<vmem>> -> memref<64x32xf32, #tpu.memory_space<vmem>>
      %dma_start3A_207 = arith.constant 0 : i32
      %dma_start3A_208 = tpu.memref_slice %arg4[%add3A_201, %dma_start3A_207] : memref<204800x32xf32, #tpu.memory_space<hbm>> -> memref<64x32xf32, #tpu.memory_space<hbm>>
      %dma_start3A_209 = arith.constant 0 : i32
      %dma_start3A_210 = tpu.memref_slice %arg4[%add3A_201, %dma_start3A_209] : memref<204800x32xf32, #tpu.memory_space<hbm>> -> memref<64x32xf32, #tpu.memory_space<hbm>>
      %dma_start3A_211 = arith.constant 0 : i32
      %dma_start3A_212 = arith.constant 0 : i32
      %dma_start3A_213 = tpu.memref_slice %arg6[%dma_start3A_202, %dma_start3A_211, %dma_start3A_212] : memref<4x64x32xf32, #tpu.memory_space<vmem>> -> memref<1x64x32xf32, #tpu.memory_space<vmem>>
      %dma_start3A_214 = tpu.memref_squeeze %dma_start3A_213 : memref<1x64x32xf32, #tpu.memory_space<vmem>> -> memref<64x32xf32, #tpu.memory_space<vmem>>
      tpu.enqueue_dma source(%dma_start3A_214 : memref<64x32xf32, #tpu.memory_space<vmem>>) target(%dma_start3A_210 : memref<64x32xf32, #tpu.memory_space<hbm>>) target_semaphore(%arg13 : memref<!tpu.dma_semaphore, #tpu.memory_space<semaphore_mem>>)
      %lt3A_215 = arith.constant 24 : i32
      %lt3A_216 = arith.cmpi slt, %scan3A_114, %lt3A_215 : i32
      %convert_element_type3A_217 = arith.extui %lt3A_216 : i1 to i32
      %cond3A_218 = arith.constant 0 : i32
      %cond3A_219 = arith.cmpi ne, %convert_element_type3A_217, %cond3A_218 : i32
      scf.if %cond3A_219 {
        %mul3A_256 = arith.constant 64 : i32
        %mul3A_257 = arith.muli %add3A_187, %mul3A_256 : i32
        %add3A_258 = arith.addi %mul3A_2, %mul3A_257 : i32
        %dma_wait3A_259 = arith.constant 2 : i32
        %dma_wait3A_260 = arith.constant 0 : i32
        %dma_wait3A_261 = arith.constant 0 : i32
        %dma_wait3A_262 = tpu.memref_slice %arg6[%dma_wait3A_259, %dma_wait3A_260, %dma_wait3A_261] : memref<4x64x32xf32, #tpu.memory_space<vmem>> -> memref<1x64x32xf32, #tpu.memory_space<vmem>>
        %dma_wait3A_263 = tpu.memref_squeeze %dma_wait3A_262 : memref<1x64x32xf32, #tpu.memory_space<vmem>> -> memref<64x32xf32, #tpu.memory_space<vmem>>
        %dma_wait3A_264 = arith.constant 0 : i32
        %dma_wait3A_265 = tpu.memref_slice %arg4[%add3A_258, %dma_wait3A_264] : memref<204800x32xf32, #tpu.memory_space<hbm>> -> memref<64x32xf32, #tpu.memory_space<hbm>>
        %dma_wait3A_266 = arith.constant 0 : i32
        %dma_wait3A_267 = tpu.memref_slice %arg4[%add3A_258, %dma_wait3A_266] : memref<204800x32xf32, #tpu.memory_space<hbm>> -> memref<64x32xf32, #tpu.memory_space<hbm>>
        %dma_wait3A_268 = arith.constant 0 : i32
        %dma_wait3A_269 = arith.constant 0 : i32
        %dma_wait3A_270 = tpu.memref_slice %arg6[%dma_wait3A_259, %dma_wait3A_268, %dma_wait3A_269] : memref<4x64x32xf32, #tpu.memory_space<vmem>> -> memref<1x64x32xf32, #tpu.memory_space<vmem>>
        %dma_wait3A_271 = tpu.memref_squeeze %dma_wait3A_270 : memref<1x64x32xf32, #tpu.memory_space<vmem>> -> memref<64x32xf32, #tpu.memory_space<vmem>>
        tpu.wait_dma2 semaphore(%arg13 : memref<!tpu.dma_semaphore, #tpu.memory_space<semaphore_mem>>) src(%dma_wait3A_271 : memref<64x32xf32, #tpu.memory_space<vmem>>) dst(%dma_wait3A_267 : memref<64x32xf32, #tpu.memory_space<hbm>>)
        %add3A_272 = arith.constant 4 : i32
        %add3A_273 = arith.addi %add3A_187, %add3A_272 : i32
        %dma_start3A_274 = arith.constant 2 : i32
        %dma_start3A_275 = arith.constant 0 : i32
        %dma_start3A_276 = arith.constant 0 : i32
        %dma_start3A_277 = tpu.memref_slice %arg6[%dma_start3A_274, %dma_start3A_275, %dma_start3A_276] : memref<4x64x32xf32, #tpu.memory_space<vmem>> -> memref<1x64x32xf32, #tpu.memory_space<vmem>>
        %dma_start3A_278 = tpu.memref_squeeze %dma_start3A_277 : memref<1x64x32xf32, #tpu.memory_space<vmem>> -> memref<64x32xf32, #tpu.memory_space<vmem>>
        %dma_start3A_279 = arith.constant 0 : i32
        %dma_start3A_280 = tpu.memref_slice %arg5[%add3A_273, %dma_start3A_279] : memref<100x64xi32, #tpu.memory_space<vmem>> -> memref<1x64xi32, #tpu.memory_space<vmem>>
        %dma_start3A_281 = tpu.memref_squeeze %dma_start3A_280 : memref<1x64xi32, #tpu.memory_space<vmem>> -> memref<64xi32, #tpu.memory_space<vmem>>
        %dma_start3A_282 = arith.constant 0 : i32
        %dma_start3A_283 = arith.constant 0 : i32
        %dma_start3A_284 = tpu.memref_slice %arg2[%dma_start3A_282, %dma_start3A_283] : memref<1000000x32xf32, #tpu.memory_space<hbm>> -> memref<1000000x32xf32, #tpu.memory_space<hbm>>
        tpu.enqueue_indirect_dma source(%dma_start3A_284 : memref<1000000x32xf32, #tpu.memory_space<hbm>>) target(%dma_start3A_278 : memref<64x32xf32, #tpu.memory_space<vmem>>) offsets(%dma_start3A_281 : memref<64xi32, #tpu.memory_space<vmem>>) semaphore(%arg9 : memref<!tpu.dma_semaphore, #tpu.memory_space<semaphore_mem>>)
      } else {
      }
      %mul3A_220 = arith.constant 4 : i32
      %mul3A_221 = arith.muli %scan3A_114, %mul3A_220 : i32
      %add3A_222 = arith.constant 3 : i32
      %add3A_223 = arith.addi %mul3A_221, %add3A_222 : i32
      %dma_wait3A_224 = arith.constant 3 : i32
      %dma_wait3A_225 = arith.constant 0 : i32
      %dma_wait3A_226 = arith.constant 0 : i32
      %dma_wait3A_227 = tpu.memref_slice %arg6[%dma_wait3A_224, %dma_wait3A_225, %dma_wait3A_226] : memref<4x64x32xf32, #tpu.memory_space<vmem>> -> memref<1x64x32xf32, #tpu.memory_space<vmem>>
      %dma_wait3A_228 = tpu.memref_squeeze %dma_wait3A_227 : memref<1x64x32xf32, #tpu.memory_space<vmem>> -> memref<64x32xf32, #tpu.memory_space<vmem>>
      %dma_wait3A_229 = arith.constant 0 : i32
      %dma_wait3A_230 = tpu.memref_slice %arg5[%add3A_223, %dma_wait3A_229] : memref<100x64xi32, #tpu.memory_space<vmem>> -> memref<1x64xi32, #tpu.memory_space<vmem>>
      %dma_wait3A_231 = tpu.memref_squeeze %dma_wait3A_230 : memref<1x64xi32, #tpu.memory_space<vmem>> -> memref<64xi32, #tpu.memory_space<vmem>>
      %dma_wait3A_232 = arith.constant 0 : i32
      %dma_wait3A_233 = arith.constant 0 : i32
      %dma_wait3A_234 = tpu.memref_slice %arg2[%dma_wait3A_232, %dma_wait3A_233] : memref<1000000x32xf32, #tpu.memory_space<hbm>> -> memref<1000000x32xf32, #tpu.memory_space<hbm>>
      tpu.wait_indirect_dma semaphore(%arg10 : memref<!tpu.dma_semaphore, #tpu.memory_space<semaphore_mem>>) src(%dma_wait3A_234 : memref<1000000x32xf32, #tpu.memory_space<hbm>>) dst(%dma_wait3A_228 : memref<64x32xf32, #tpu.memory_space<vmem>>)
      %mul3A_235 = arith.constant 64 : i32
      %mul3A_236 = arith.muli %add3A_223, %mul3A_235 : i32
      %add3A_237 = arith.addi %mul3A_2, %mul3A_236 : i32
      %dma_start3A_238 = arith.constant 3 : i32
      %dma_start3A_239 = arith.constant 0 : i32
      %dma_start3A_240 = arith.constant 0 : i32
      %dma_start3A_241 = tpu.memref_slice %arg6[%dma_start3A_238, %dma_start3A_239, %dma_start3A_240] : memref<4x64x32xf32, #tpu.memory_space<vmem>> -> memref<1x64x32xf32, #tpu.memory_space<vmem>>
      %dma_start3A_242 = tpu.memref_squeeze %dma_start3A_241 : memref<1x64x32xf32, #tpu.memory_space<vmem>> -> memref<64x32xf32, #tpu.memory_space<vmem>>
      %dma_start3A_243 = arith.constant 0 : i32
      %dma_start3A_244 = tpu.memref_slice %arg4[%add3A_237, %dma_start3A_243] : memref<204800x32xf32, #tpu.memory_space<hbm>> -> memref<64x32xf32, #tpu.memory_space<hbm>>
      %dma_start3A_245 = arith.constant 0 : i32
      %dma_start3A_246 = tpu.memref_slice %arg4[%add3A_237, %dma_start3A_245] : memref<204800x32xf32, #tpu.memory_space<hbm>> -> memref<64x32xf32, #tpu.memory_space<hbm>>
      %dma_start3A_247 = arith.constant 0 : i32
      %dma_start3A_248 = arith.constant 0 : i32
      %dma_start3A_249 = tpu.memref_slice %arg6[%dma_start3A_238, %dma_start3A_247, %dma_start3A_248] : memref<4x64x32xf32, #tpu.memory_space<vmem>> -> memref<1x64x32xf32, #tpu.memory_space<vmem>>
      %dma_start3A_250 = tpu.memref_squeeze %dma_start3A_249 : memref<1x64x32xf32, #tpu.memory_space<vmem>> -> memref<64x32xf32, #tpu.memory_space<vmem>>
      tpu.enqueue_dma source(%dma_start3A_250 : memref<64x32xf32, #tpu.memory_space<vmem>>) target(%dma_start3A_246 : memref<64x32xf32, #tpu.memory_space<hbm>>) target_semaphore(%arg14 : memref<!tpu.dma_semaphore, #tpu.memory_space<semaphore_mem>>)
      %lt3A_251 = arith.constant 24 : i32
      %lt3A_252 = arith.cmpi slt, %scan3A_114, %lt3A_251 : i32
      %convert_element_type3A_253 = arith.extui %lt3A_252 : i1 to i32
      %cond3A_254 = arith.constant 0 : i32
      %cond3A_255 = arith.cmpi ne, %convert_element_type3A_253, %cond3A_254 : i32
      scf.if %cond3A_255 {
        %mul3A_256 = arith.constant 64 : i32
        %mul3A_257 = arith.muli %add3A_223, %mul3A_256 : i32
        %add3A_258 = arith.addi %mul3A_2, %mul3A_257 : i32
        %dma_wait3A_259 = arith.constant 3 : i32
        %dma_wait3A_260 = arith.constant 0 : i32
        %dma_wait3A_261 = arith.constant 0 : i32
        %dma_wait3A_262 = tpu.memref_slice %arg6[%dma_wait3A_259, %dma_wait3A_260, %dma_wait3A_261] : memref<4x64x32xf32, #tpu.memory_space<vmem>> -> memref<1x64x32xf32, #tpu.memory_space<vmem>>
        %dma_wait3A_263 = tpu.memref_squeeze %dma_wait3A_262 : memref<1x64x32xf32, #tpu.memory_space<vmem>> -> memref<64x32xf32, #tpu.memory_space<vmem>>
        %dma_wait3A_264 = arith.constant 0 : i32
        %dma_wait3A_265 = tpu.memref_slice %arg4[%add3A_258, %dma_wait3A_264] : memref<204800x32xf32, #tpu.memory_space<hbm>> -> memref<64x32xf32, #tpu.memory_space<hbm>>
        %dma_wait3A_266 = arith.constant 0 : i32
        %dma_wait3A_267 = tpu.memref_slice %arg4[%add3A_258, %dma_wait3A_266] : memref<204800x32xf32, #tpu.memory_space<hbm>> -> memref<64x32xf32, #tpu.memory_space<hbm>>
        %dma_wait3A_268 = arith.constant 0 : i32
        %dma_wait3A_269 = arith.constant 0 : i32
        %dma_wait3A_270 = tpu.memref_slice %arg6[%dma_wait3A_259, %dma_wait3A_268, %dma_wait3A_269] : memref<4x64x32xf32, #tpu.memory_space<vmem>> -> memref<1x64x32xf32, #tpu.memory_space<vmem>>
        %dma_wait3A_271 = tpu.memref_squeeze %dma_wait3A_270 : memref<1x64x32xf32, #tpu.memory_space<vmem>> -> memref<64x32xf32, #tpu.memory_space<vmem>>
        tpu.wait_dma2 semaphore(%arg14 : memref<!tpu.dma_semaphore, #tpu.memory_space<semaphore_mem>>) src(%dma_wait3A_271 : memref<64x32xf32, #tpu.memory_space<vmem>>) dst(%dma_wait3A_267 : memref<64x32xf32, #tpu.memory_space<hbm>>)
        %add3A_272 = arith.constant 4 : i32
        %add3A_273 = arith.addi %add3A_223, %add3A_272 : i32
        %dma_start3A_274 = arith.constant 3 : i32
        %dma_start3A_275 = arith.constant 0 : i32
        %dma_start3A_276 = arith.constant 0 : i32
        %dma_start3A_277 = tpu.memref_slice %arg6[%dma_start3A_274, %dma_start3A_275, %dma_start3A_276] : memref<4x64x32xf32, #tpu.memory_space<vmem>> -> memref<1x64x32xf32, #tpu.memory_space<vmem>>
        %dma_start3A_278 = tpu.memref_squeeze %dma_start3A_277 : memref<1x64x32xf32, #tpu.memory_space<vmem>> -> memref<64x32xf32, #tpu.memory_space<vmem>>
        %dma_start3A_279 = arith.constant 0 : i32
        %dma_start3A_280 = tpu.memref_slice %arg5[%add3A_273, %dma_start3A_279] : memref<100x64xi32, #tpu.memory_space<vmem>> -> memref<1x64xi32, #tpu.memory_space<vmem>>
        %dma_start3A_281 = tpu.memref_squeeze %dma_start3A_280 : memref<1x64xi32, #tpu.memory_space<vmem>> -> memref<64xi32, #tpu.memory_space<vmem>>
        %dma_start3A_282 = arith.constant 0 : i32
        %dma_start3A_283 = arith.constant 0 : i32
        %dma_start3A_284 = tpu.memref_slice %arg2[%dma_start3A_282, %dma_start3A_283] : memref<1000000x32xf32, #tpu.memory_space<hbm>> -> memref<1000000x32xf32, #tpu.memory_space<hbm>>
        tpu.enqueue_indirect_dma source(%dma_start3A_284 : memref<1000000x32xf32, #tpu.memory_space<hbm>>) target(%dma_start3A_278 : memref<64x32xf32, #tpu.memory_space<vmem>>) offsets(%dma_start3A_281 : memref<64xi32, #tpu.memory_space<vmem>>) semaphore(%arg10 : memref<!tpu.dma_semaphore, #tpu.memory_space<semaphore_mem>>)
      } else {
      }
    }
    %scan3A_54 = arith.constant 25 : i32
    %add3A_55 = arith.constant 6144 : i32
    %add3A_56 = arith.addi %mul3A_2, %add3A_55 : i32
    %dma_wait3A = arith.constant 0 : i32
    %dma_wait3A_57 = arith.constant 0 : i32
    %dma_wait3A_58 = arith.constant 0 : i32
    %dma_wait3A_59 = tpu.memref_slice %arg6[%dma_wait3A, %dma_wait3A_57, %dma_wait3A_58] : memref<4x64x32xf32, #tpu.memory_space<vmem>> -> memref<1x64x32xf32, #tpu.memory_space<vmem>>
    %dma_wait3A_60 = tpu.memref_squeeze %dma_wait3A_59 : memref<1x64x32xf32, #tpu.memory_space<vmem>> -> memref<64x32xf32, #tpu.memory_space<vmem>>
    %dma_wait3A_61 = arith.constant 0 : i32
    %dma_wait3A_62 = tpu.memref_slice %arg4[%add3A_56, %dma_wait3A_61] : memref<204800x32xf32, #tpu.memory_space<hbm>> -> memref<64x32xf32, #tpu.memory_space<hbm>>
    %dma_wait3A_63 = arith.constant 0 : i32
    %dma_wait3A_64 = tpu.memref_slice %arg4[%add3A_56, %dma_wait3A_63] : memref<204800x32xf32, #tpu.memory_space<hbm>> -> memref<64x32xf32, #tpu.memory_space<hbm>>
    %dma_wait3A_65 = arith.constant 0 : i32
    %dma_wait3A_66 = arith.constant 0 : i32
    %dma_wait3A_67 = tpu.memref_slice %arg6[%dma_wait3A, %dma_wait3A_65, %dma_wait3A_66] : memref<4x64x32xf32, #tpu.memory_space<vmem>> -> memref<1x64x32xf32, #tpu.memory_space<vmem>>
    %dma_wait3A_68 = tpu.memref_squeeze %dma_wait3A_67 : memref<1x64x32xf32, #tpu.memory_space<vmem>> -> memref<64x32xf32, #tpu.memory_space<vmem>>
    tpu.wait_dma2 semaphore(%arg11 : memref<!tpu.dma_semaphore, #tpu.memory_space<semaphore_mem>>) src(%dma_wait3A_68 : memref<64x32xf32, #tpu.memory_space<vmem>>) dst(%dma_wait3A_64 : memref<64x32xf32, #tpu.memory_space<hbm>>)
    %add3A_69 = arith.constant 6208 : i32
    %add3A_70 = arith.addi %mul3A_2, %add3A_69 : i32
    %dma_wait3A_71 = arith.constant 1 : i32
    %dma_wait3A_72 = arith.constant 0 : i32
    %dma_wait3A_73 = arith.constant 0 : i32
    %dma_wait3A_74 = tpu.memref_slice %arg6[%dma_wait3A_71, %dma_wait3A_72, %dma_wait3A_73] : memref<4x64x32xf32, #tpu.memory_space<vmem>> -> memref<1x64x32xf32, #tpu.memory_space<vmem>>
    %dma_wait3A_75 = tpu.memref_squeeze %dma_wait3A_74 : memref<1x64x32xf32, #tpu.memory_space<vmem>> -> memref<64x32xf32, #tpu.memory_space<vmem>>
    %dma_wait3A_76 = arith.constant 0 : i32
    %dma_wait3A_77 = tpu.memref_slice %arg4[%add3A_70, %dma_wait3A_76] : memref<204800x32xf32, #tpu.memory_space<hbm>> -> memref<64x32xf32, #tpu.memory_space<hbm>>
    %dma_wait3A_78 = arith.constant 0 : i32
    %dma_wait3A_79 = tpu.memref_slice %arg4[%add3A_70, %dma_wait3A_78] : memref<204800x32xf32, #tpu.memory_space<hbm>> -> memref<64x32xf32, #tpu.memory_space<hbm>>
    %dma_wait3A_80 = arith.constant 0 : i32
    %dma_wait3A_81 = arith.constant 0 : i32
    %dma_wait3A_82 = tpu.memref_slice %arg6[%dma_wait3A_71, %dma_wait3A_80, %dma_wait3A_81] : memref<4x64x32xf32, #tpu.memory_space<vmem>> -> memref<1x64x32xf32, #tpu.memory_space<vmem>>
    %dma_wait3A_83 = tpu.memref_squeeze %dma_wait3A_82 : memref<1x64x32xf32, #tpu.memory_space<vmem>> -> memref<64x32xf32, #tpu.memory_space<vmem>>
    tpu.wait_dma2 semaphore(%arg12 : memref<!tpu.dma_semaphore, #tpu.memory_space<semaphore_mem>>) src(%dma_wait3A_83 : memref<64x32xf32, #tpu.memory_space<vmem>>) dst(%dma_wait3A_79 : memref<64x32xf32, #tpu.memory_space<hbm>>)
    %add3A_84 = arith.constant 6272 : i32
    %add3A_85 = arith.addi %mul3A_2, %add3A_84 : i32
    %dma_wait3A_86 = arith.constant 2 : i32
    %dma_wait3A_87 = arith.constant 0 : i32
    %dma_wait3A_88 = arith.constant 0 : i32
    %dma_wait3A_89 = tpu.memref_slice %arg6[%dma_wait3A_86, %dma_wait3A_87, %dma_wait3A_88] : memref<4x64x32xf32, #tpu.memory_space<vmem>> -> memref<1x64x32xf32, #tpu.memory_space<vmem>>
    %dma_wait3A_90 = tpu.memref_squeeze %dma_wait3A_89 : memref<1x64x32xf32, #tpu.memory_space<vmem>> -> memref<64x32xf32, #tpu.memory_space<vmem>>
    %dma_wait3A_91 = arith.constant 0 : i32
    %dma_wait3A_92 = tpu.memref_slice %arg4[%add3A_85, %dma_wait3A_91] : memref<204800x32xf32, #tpu.memory_space<hbm>> -> memref<64x32xf32, #tpu.memory_space<hbm>>
    %dma_wait3A_93 = arith.constant 0 : i32
    %dma_wait3A_94 = tpu.memref_slice %arg4[%add3A_85, %dma_wait3A_93] : memref<204800x32xf32, #tpu.memory_space<hbm>> -> memref<64x32xf32, #tpu.memory_space<hbm>>
    %dma_wait3A_95 = arith.constant 0 : i32
    %dma_wait3A_96 = arith.constant 0 : i32
    %dma_wait3A_97 = tpu.memref_slice %arg6[%dma_wait3A_86, %dma_wait3A_95, %dma_wait3A_96] : memref<4x64x32xf32, #tpu.memory_space<vmem>> -> memref<1x64x32xf32, #tpu.memory_space<vmem>>
    %dma_wait3A_98 = tpu.memref_squeeze %dma_wait3A_97 : memref<1x64x32xf32, #tpu.memory_space<vmem>> -> memref<64x32xf32, #tpu.memory_space<vmem>>
    tpu.wait_dma2 semaphore(%arg13 : memref<!tpu.dma_semaphore, #tpu.memory_space<semaphore_mem>>) src(%dma_wait3A_98 : memref<64x32xf32, #tpu.memory_space<vmem>>) dst(%dma_wait3A_94 : memref<64x32xf32, #tpu.memory_space<hbm>>)
    %add3A_99 = arith.constant 6336 : i32
    %add3A_100 = arith.addi %mul3A_2, %add3A_99 : i32
    %dma_wait3A_101 = arith.constant 3 : i32
    %dma_wait3A_102 = arith.constant 0 : i32
    %dma_wait3A_103 = arith.constant 0 : i32
    %dma_wait3A_104 = tpu.memref_slice %arg6[%dma_wait3A_101, %dma_wait3A_102, %dma_wait3A_103] : memref<4x64x32xf32, #tpu.memory_space<vmem>> -> memref<1x64x32xf32, #tpu.memory_space<vmem>>
    %dma_wait3A_105 = tpu.memref_squeeze %dma_wait3A_104 : memref<1x64x32xf32, #tpu.memory_space<vmem>> -> memref<64x32xf32, #tpu.memory_space<vmem>>
    %dma_wait3A_106 = arith.constant 0 : i32
    %dma_wait3A_107 = tpu.memref_slice %arg4[%add3A_100, %dma_wait3A_106] : memref<204800x32xf32, #tpu.memory_space<hbm>> -> memref<64x32xf32, #tpu.memory_space<hbm>>
    %dma_wait3A_108 = arith.constant 0 : i32
    %dma_wait3A_109 = tpu.memref_slice %arg4[%add3A_100, %dma_wait3A_108] : memref<204800x32xf32, #tpu.memory_space<hbm>> -> memref<64x32xf32, #tpu.memory_space<hbm>>
    %dma_wait3A_110 = arith.constant 0 : i32
    %dma_wait3A_111 = arith.constant 0 : i32
    %dma_wait3A_112 = tpu.memref_slice %arg6[%dma_wait3A_101, %dma_wait3A_110, %dma_wait3A_111] : memref<4x64x32xf32, #tpu.memory_space<vmem>> -> memref<1x64x32xf32, #tpu.memory_space<vmem>>
    %dma_wait3A_113 = tpu.memref_squeeze %dma_wait3A_112 : memref<1x64x32xf32, #tpu.memory_space<vmem>> -> memref<64x32xf32, #tpu.memory_space<vmem>>
    tpu.wait_dma2 semaphore(%arg14 : memref<!tpu.dma_semaphore, #tpu.memory_space<semaphore_mem>>) src(%dma_wait3A_113 : memref<64x32xf32, #tpu.memory_space<vmem>>) dst(%dma_wait3A_109 : memref<64x32xf32, #tpu.memory_space<hbm>>)
    return
  }
}

module attributes {stable_mosaic.version = 14 : i64} {
  func.func @body(%arg0: i32, %arg1: memref<6400x32xf32, #tpu.memory_space<vmem>>, %arg2: memref<128x50xi32, #tpu.memory_space<vmem>>, %arg3: memref<128x6400xf32, #tpu.memory_space<vmem>>, %arg4: memref<6400x128xf32, #tpu.memory_space<vmem>>, %arg5: memref<6400x50xf32, #tpu.memory_space<vmem>>, %arg6: memref<32x128xf32, #tpu.memory_space<vmem>>, %arg7: memref<1x128xf32, #tpu.memory_space<vmem>>, %arg8: memref<1x128xf32, #tpu.memory_space<vmem>>, %arg9: memref<1x128xf32, #tpu.memory_space<vmem>>, %arg10: memref<128x128xf32, #tpu.memory_space<vmem>>, %arg11: memref<1x128xf32, #tpu.memory_space<vmem>>, %arg12: memref<128x1xf32, #tpu.memory_space<vmem>>, %arg13: memref<128x128xf32, #tpu.memory_space<vmem>>, %arg14: memref<128x50xf32, #tpu.memory_space<vmem>>) attributes {dimension_semantics = [#tpu.dimension_semantics<arbitrary>], iteration_bounds = array<i64: 32>, scalar_prefetch = 0 : i64, scratch_operands = 0 : i64, tpu.core_type = #tpu.core_type<tc>, window_params = [{transform_indices = @transform_0, window_bounds = array<i64: 6400, 32>}, {transform_indices = @transform_1, window_bounds = array<i64: 128, 50>}, {pipeline_mode = #tpu.pipeline_mode<synchronous>, transform_indices = @transform_2, window_bounds = array<i64: 128, 6400>}, {pipeline_mode = #tpu.pipeline_mode<synchronous>, transform_indices = @transform_3, window_bounds = array<i64: 6400, 128>}, {pipeline_mode = #tpu.pipeline_mode<synchronous>, transform_indices = @transform_4, window_bounds = array<i64: 6400, 50>}, {pipeline_mode = #tpu.pipeline_mode<synchronous>, transform_indices = @transform_5, window_bounds = array<i64: 32, 128>}, {pipeline_mode = #tpu.pipeline_mode<synchronous>, transform_indices = @transform_6, window_bounds = array<i64: 1, 128>}, {pipeline_mode = #tpu.pipeline_mode<synchronous>, transform_indices = @transform_7, window_bounds = array<i64: 1, 128>}, {pipeline_mode = #tpu.pipeline_mode<synchronous>, transform_indices = @transform_8, window_bounds = array<i64: 1, 128>}, {pipeline_mode = #tpu.pipeline_mode<synchronous>, transform_indices = @transform_9, window_bounds = array<i64: 128, 128>}, {pipeline_mode = #tpu.pipeline_mode<synchronous>, transform_indices = @transform_10, window_bounds = array<i64: 1, 128>}, {pipeline_mode = #tpu.pipeline_mode<synchronous>, transform_indices = @transform_11, window_bounds = array<i64: 128, 1>}, {transform_indices = @transform_12, window_bounds = array<i64: 128, 128>}, {transform_indices = @transform_13, window_bounds = array<i64: 128, 50>}]} {
    %get3A = arith.constant 0 : index
    %get3A_0 = arith.constant 0 : index
    %get3A_1 = vector.load %arg1[%get3A, %get3A_0] : memref<6400x32xf32, #tpu.memory_space<vmem>>, vector<6400x32xf32>
    %get3A_2 = arith.constant 0 : index
    %get3A_3 = arith.constant 0 : index
    %get3A_4 = vector.load %arg6[%get3A_2, %get3A_3] : memref<32x128xf32, #tpu.memory_space<vmem>>, vector<32x128xf32>
    %dot_general3A = arith.constant dense<0.000000e+00> : vector<6400x128xf32>
    %dot_general3A_5 = tpu.matmul %get3A_1, %get3A_4, %dot_general3A {dimension_numbers = #tpu.dot_dimension_numbers<[1], [0], [0], [1], [0, 0, 1, 1], [], []>, transpose_lhs_hint = false} : vector<6400x32xf32>, vector<32x128xf32>, vector<6400x128xf32> -> vector<6400x128xf32>
    %get3A_6 = arith.constant 0 : index
    %get3A_7 = arith.constant 0 : index
    %get3A_8 = vector.load %arg7[%get3A_6, %get3A_7] : memref<1x128xf32, #tpu.memory_space<vmem>>, vector<1x128xf32>
    %add3A = vector.broadcast %get3A_8 : vector<1x128xf32> to vector<6400x128xf32>
    %add3A_9 = arith.addf %dot_general3A_5, %add3A : vector<6400x128xf32>
    %max3A = arith.constant 0.000000e+00 : f32
    %max3A_10 = vector.broadcast %max3A : f32 to vector<6400x128xf32>
    %max3A_11 = arith.maximumf %add3A_9, %max3A_10 : vector<6400x128xf32>
    %broadcast_in_dim3A = arith.constant 7.812500e-03 : f32
    %broadcast_in_dim3A_12 = vector.broadcast %broadcast_in_dim3A : f32 to vector<128x1xf32>
    %dot_general3A_13 = arith.constant dense<0.000000e+00> : vector<6400x1xf32>
    %dot_general3A_14 = tpu.matmul %max3A_11, %broadcast_in_dim3A_12, %dot_general3A_13 {dimension_numbers = #tpu.dot_dimension_numbers<[1], [0], [0], [1], [0, 0, 1, 1], [], []>, transpose_lhs_hint = false} : vector<6400x128xf32>, vector<128x1xf32>, vector<6400x1xf32> -> vector<6400x1xf32>
    %mul3A = arith.mulf %max3A_11, %max3A_11 : vector<6400x128xf32>
    %dot_general3A_15 = arith.constant dense<0.000000e+00> : vector<6400x1xf32>
    %dot_general3A_16 = tpu.matmul %mul3A, %broadcast_in_dim3A_12, %dot_general3A_15 {dimension_numbers = #tpu.dot_dimension_numbers<[1], [0], [0], [1], [0, 0, 1, 1], [], []>, transpose_lhs_hint = false} : vector<6400x128xf32>, vector<128x1xf32>, vector<6400x1xf32> -> vector<6400x1xf32>
    %mul3A_17 = arith.mulf %dot_general3A_14, %dot_general3A_14 : vector<6400x1xf32>
    %sub3A = arith.subf %dot_general3A_16, %mul3A_17 : vector<6400x1xf32>
    %max3A_18 = arith.constant 0.000000e+00 : f32
    %max3A_19 = vector.broadcast %max3A_18 : f32 to vector<6400x1xf32>
    %max3A_20 = arith.maximumf %sub3A, %max3A_19 : vector<6400x1xf32>
    %sub3A_21 = vector.broadcast %dot_general3A_14 : vector<6400x1xf32> to vector<6400x128xf32>
    %sub3A_22 = arith.subf %max3A_11, %sub3A_21 : vector<6400x128xf32>
    %add3A_23 = arith.constant 9.99999974E-6 : f32
    %add3A_24 = vector.broadcast %add3A_23 : f32 to vector<6400x1xf32>
    %add3A_25 = arith.addf %max3A_20, %add3A_24 : vector<6400x1xf32>
    %rsqrt3A = math.rsqrt %add3A_25 : vector<6400x1xf32>
    %mul3A_26 = vector.broadcast %rsqrt3A : vector<6400x1xf32> to vector<6400x128xf32>
    %mul3A_27 = arith.mulf %sub3A_22, %mul3A_26 : vector<6400x128xf32>
    %get3A_28 = arith.constant 0 : index
    %get3A_29 = arith.constant 0 : index
    %get3A_30 = vector.load %arg8[%get3A_28, %get3A_29] : memref<1x128xf32, #tpu.memory_space<vmem>>, vector<1x128xf32>
    %mul3A_31 = vector.broadcast %get3A_30 : vector<1x128xf32> to vector<6400x128xf32>
    %mul3A_32 = arith.mulf %mul3A_27, %mul3A_31 : vector<6400x128xf32>
    %get3A_33 = arith.constant 0 : index
    %get3A_34 = arith.constant 0 : index
    %get3A_35 = vector.load %arg9[%get3A_33, %get3A_34] : memref<1x128xf32, #tpu.memory_space<vmem>>, vector<1x128xf32>
    %add3A_36 = vector.broadcast %get3A_35 : vector<1x128xf32> to vector<6400x128xf32>
    %add3A_37 = arith.addf %mul3A_32, %add3A_36 : vector<6400x128xf32>
    %get3A_38 = arith.constant 0 : index
    %get3A_39 = arith.constant 0 : index
    %get3A_40 = vector.load %arg10[%get3A_38, %get3A_39] : memref<128x128xf32, #tpu.memory_space<vmem>>, vector<128x128xf32>
    %dot_general3A_41 = arith.constant dense<0.000000e+00> : vector<6400x128xf32>
    %dot_general3A_42 = tpu.matmul %add3A_37, %get3A_40, %dot_general3A_41 {dimension_numbers = #tpu.dot_dimension_numbers<[1], [0], [0], [1], [0, 0, 1, 1], [], []>, transpose_lhs_hint = false} : vector<6400x128xf32>, vector<128x128xf32>, vector<6400x128xf32> -> vector<6400x128xf32>
    %get3A_43 = arith.constant 0 : index
    %get3A_44 = arith.constant 0 : index
    %get3A_45 = vector.load %arg11[%get3A_43, %get3A_44] : memref<1x128xf32, #tpu.memory_space<vmem>>, vector<1x128xf32>
    %add3A_46 = vector.broadcast %get3A_45 : vector<1x128xf32> to vector<6400x128xf32>
    %add3A_47 = arith.addf %dot_general3A_42, %add3A_46 : vector<6400x128xf32>
    %tanh3A = math.tanh %add3A_47 : vector<6400x128xf32>
    %get3A_48 = arith.constant 0 : index
    %get3A_49 = arith.constant 0 : index
    %get3A_50 = vector.load %arg12[%get3A_48, %get3A_49] : memref<128x1xf32, #tpu.memory_space<vmem>>, vector<128x1xf32>
    %dot_general3A_51 = arith.constant dense<0.000000e+00> : vector<6400x1xf32>
    %dot_general3A_52 = tpu.matmul %tanh3A, %get3A_50, %dot_general3A_51 {dimension_numbers = #tpu.dot_dimension_numbers<[1], [0], [0], [1], [0, 0, 1, 1], [], []>, transpose_lhs_hint = false} : vector<6400x128xf32>, vector<128x1xf32>, vector<6400x1xf32> -> vector<6400x1xf32>
    %get3A_53 = arith.constant 0 : index
    %get3A_54 = arith.constant 0 : index
    %get3A_55 = vector.load %arg2[%get3A_53, %get3A_54] : memref<128x50xi32, #tpu.memory_space<vmem>>, vector<128x50xi32>
    %convert_element_type3A = arith.sitofp %get3A_55 : vector<128x50xi32> to vector<128x50xf32>
    %broadcast_in_dim3A_56 = arith.constant 1.000000e+00 : f32
    %broadcast_in_dim3A_57 = vector.broadcast %broadcast_in_dim3A_56 : f32 to vector<50x1xf32>
    %get3A_58 = arith.constant 0 : index
    %get3A_59 = arith.constant 0 : index
    %get3A_60 = vector.load %arg4[%get3A_58, %get3A_59] : memref<6400x128xf32, #tpu.memory_space<vmem>>, vector<6400x128xf32>
    %dot_general3A_61 = arith.constant dense<0.000000e+00> : vector<6400x50xf32>
    %dot_general3A_62 = tpu.matmul %get3A_60, %convert_element_type3A, %dot_general3A_61 {dimension_numbers = #tpu.dot_dimension_numbers<[1], [0], [0], [1], [0, 0, 1, 1], [], []>, transpose_lhs_hint = false} : vector<6400x128xf32>, vector<128x50xf32>, vector<6400x50xf32> -> vector<6400x50xf32>
    %get3A_63 = arith.constant 0 : index
    %get3A_64 = arith.constant 0 : index
    %get3A_65 = vector.load %arg5[%get3A_63, %get3A_64] : memref<6400x50xf32, #tpu.memory_space<vmem>>, vector<6400x50xf32>
    %mul3A_66 = arith.mulf %dot_general3A_62, %get3A_65 : vector<6400x50xf32>
    %dot_general3A_67 = arith.constant dense<0.000000e+00> : vector<6400x1xf32>
    %dot_general3A_68 = tpu.matmul %mul3A_66, %broadcast_in_dim3A_57, %dot_general3A_67 {dimension_numbers = #tpu.dot_dimension_numbers<[1], [0], [0], [1], [0, 0, 1, 1], [], []>, transpose_lhs_hint = false} : vector<6400x50xf32>, vector<50x1xf32>, vector<6400x1xf32> -> vector<6400x1xf32>
    %exp3A = math.exp %dot_general3A_52 : vector<6400x1xf32>
    %mul3A_69 = arith.mulf %exp3A, %dot_general3A_68 : vector<6400x1xf32>
    %get3A_70 = arith.constant 0 : index
    %get3A_71 = arith.constant 0 : index
    %get3A_72 = vector.load %arg3[%get3A_70, %get3A_71] : memref<128x6400xf32, #tpu.memory_space<vmem>>, vector<128x6400xf32>
    %dot_general3A_73 = arith.constant dense<0.000000e+00> : vector<128x1xf32>
    %dot_general3A_74 = tpu.matmul %get3A_72, %mul3A_69, %dot_general3A_73 {dimension_numbers = #tpu.dot_dimension_numbers<[1], [0], [0], [1], [0, 0, 1, 1], [], []>, transpose_lhs_hint = false} : vector<128x6400xf32>, vector<6400x1xf32>, vector<128x1xf32> -> vector<128x1xf32>
    %get3A_75 = arith.constant 0 : index
    %get3A_76 = arith.constant 0 : index
    %get3A_77 = vector.load %arg4[%get3A_75, %get3A_76] : memref<6400x128xf32, #tpu.memory_space<vmem>>, vector<6400x128xf32>
    %dot_general3A_78 = arith.constant dense<0.000000e+00> : vector<6400x1xf32>
    %dot_general3A_79 = tpu.matmul %get3A_77, %dot_general3A_74, %dot_general3A_78 {dimension_numbers = #tpu.dot_dimension_numbers<[1], [0], [0], [1], [0, 0, 1, 1], [], []>, transpose_lhs_hint = false} : vector<6400x128xf32>, vector<128x1xf32>, vector<6400x1xf32> -> vector<6400x1xf32>
    %div3A = arith.divf %mul3A_69, %dot_general3A_79 : vector<6400x1xf32>
    %get3A_80 = arith.constant 0 : index
    %get3A_81 = arith.constant 0 : index
    %get3A_82 = vector.load %arg3[%get3A_80, %get3A_81] : memref<128x6400xf32, #tpu.memory_space<vmem>>, vector<128x6400xf32>
    %get3A_83 = arith.constant 0 : index
    %get3A_84 = arith.constant 0 : index
    %get3A_85 = vector.load %arg5[%get3A_83, %get3A_84] : memref<6400x50xf32, #tpu.memory_space<vmem>>, vector<6400x50xf32>
    %mul3A_86 = vector.broadcast %div3A : vector<6400x1xf32> to vector<6400x50xf32>
    %mul3A_87 = arith.mulf %mul3A_86, %get3A_85 : vector<6400x50xf32>
    %dot_general3A_88 = arith.constant dense<0.000000e+00> : vector<128x50xf32>
    %dot_general3A_89 = tpu.matmul %get3A_82, %mul3A_87, %dot_general3A_88 {dimension_numbers = #tpu.dot_dimension_numbers<[1], [0], [0], [1], [0, 0, 1, 1], [], []>, transpose_lhs_hint = false} : vector<128x6400xf32>, vector<6400x50xf32>, vector<128x50xf32> -> vector<128x50xf32>
    %swap3A = arith.constant 0 : index
    %swap3A_90 = arith.constant 0 : index
    %swap3A_91 = vector.load %arg14[%swap3A, %swap3A_90] : memref<128x50xf32, #tpu.memory_space<vmem>>, vector<128x50xf32>
    tpu.vector_store %arg14[%swap3A, %swap3A_90], %dot_general3A_89 {strides = array<i32>} : memref<128x50xf32, #tpu.memory_space<vmem>>, vector<128x50xf32>,
    %get3A_92 = arith.constant 0 : index
    %get3A_93 = arith.constant 0 : index
    %get3A_94 = vector.load %arg3[%get3A_92, %get3A_93] : memref<128x6400xf32, #tpu.memory_space<vmem>>, vector<128x6400xf32>
    %mul3A_95 = vector.broadcast %div3A : vector<6400x1xf32> to vector<6400x128xf32>
    %mul3A_96 = arith.mulf %mul3A_95, %add3A_37 : vector<6400x128xf32>
    %dot_general3A_97 = arith.constant dense<0.000000e+00> : vector<128x128xf32>
    %dot_general3A_98 = tpu.matmul %get3A_94, %mul3A_96, %dot_general3A_97 {dimension_numbers = #tpu.dot_dimension_numbers<[1], [0], [0], [1], [0, 0, 1, 1], [], []>, transpose_lhs_hint = false} : vector<128x6400xf32>, vector<6400x128xf32>, vector<128x128xf32> -> vector<128x128xf32>
    %swap3A_99 = arith.constant 0 : index
    %swap3A_100 = arith.constant 0 : index
    %swap3A_101 = vector.load %arg13[%swap3A_99, %swap3A_100] : memref<128x128xf32, #tpu.memory_space<vmem>>, vector<128x128xf32>
    tpu.vector_store %arg13[%swap3A_99, %swap3A_100], %dot_general3A_98 {strides = array<i32>} : memref<128x128xf32, #tpu.memory_space<vmem>>, vector<128x128xf32>,
    return
  }
  func.func @transform_0(%arg0: i32) -> (i32, i32) {
    %c0_i32 = arith.constant 0 : i32
    %c0_i32_0 = arith.constant 0 : i32
    return %arg0, %c0_i32 : i32, i32
  }
  func.func @transform_1(%arg0: i32) -> (i32, i32) {
    %c0_i32 = arith.constant 0 : i32
    %c0_i32_0 = arith.constant 0 : i32
    return %arg0, %c0_i32 : i32, i32
  }
  func.func @transform_2(%arg0: i32) -> (i32, i32) {
    %c0_i32 = arith.constant 0 : i32
    %c0_i32_0 = arith.constant 0 : i32
    %c0_i32_1 = arith.constant 0 : i32
    return %c0_i32, %c0_i32_0 : i32, i32
  }
  func.func @transform_3(%arg0: i32) -> (i32, i32) {
    %c0_i32 = arith.constant 0 : i32
    %c0_i32_0 = arith.constant 0 : i32
    %c0_i32_1 = arith.constant 0 : i32
    return %c0_i32, %c0_i32_0 : i32, i32
  }
  func.func @transform_4(%arg0: i32) -> (i32, i32) {
    %c0_i32 = arith.constant 0 : i32
    %c0_i32_0 = arith.constant 0 : i32
    %c0_i32_1 = arith.constant 0 : i32
    return %c0_i32, %c0_i32_0 : i32, i32
  }
  func.func @transform_5(%arg0: i32) -> (i32, i32) {
    %c0_i32 = arith.constant 0 : i32
    %c0_i32_0 = arith.constant 0 : i32
    %c0_i32_1 = arith.constant 0 : i32
    return %c0_i32, %c0_i32_0 : i32, i32
  }
  func.func @transform_6(%arg0: i32) -> (i32, i32) {
    %c0_i32 = arith.constant 0 : i32
    %c0_i32_0 = arith.constant 0 : i32
    %c0_i32_1 = arith.constant 0 : i32
    return %c0_i32, %c0_i32_0 : i32, i32
  }
  func.func @transform_7(%arg0: i32) -> (i32, i32) {
    %c0_i32 = arith.constant 0 : i32
    %c0_i32_0 = arith.constant 0 : i32
    %c0_i32_1 = arith.constant 0 : i32
    return %c0_i32, %c0_i32_0 : i32, i32
  }
  func.func @transform_8(%arg0: i32) -> (i32, i32) {
    %c0_i32 = arith.constant 0 : i32
    %c0_i32_0 = arith.constant 0 : i32
    %c0_i32_1 = arith.constant 0 : i32
    return %c0_i32, %c0_i32_0 : i32, i32
  }
  func.func @transform_9(%arg0: i32) -> (i32, i32) {
    %c0_i32 = arith.constant 0 : i32
    %c0_i32_0 = arith.constant 0 : i32
    %c0_i32_1 = arith.constant 0 : i32
    return %c0_i32, %c0_i32_0 : i32, i32
  }
  func.func @transform_10(%arg0: i32) -> (i32, i32) {
    %c0_i32 = arith.constant 0 : i32
    %c0_i32_0 = arith.constant 0 : i32
    %c0_i32_1 = arith.constant 0 : i32
    return %c0_i32, %c0_i32_0 : i32, i32
  }
  func.func @transform_11(%arg0: i32) -> (i32, i32) {
    %c0_i32 = arith.constant 0 : i32
    %c0_i32_0 = arith.constant 0 : i32
    %c0_i32_1 = arith.constant 0 : i32
    return %c0_i32, %c0_i32_0 : i32, i32
  }
  func.func @transform_12(%arg0: i32) -> (i32, i32) {
    %c0_i32 = arith.constant 0 : i32
    %c0_i32_0 = arith.constant 0 : i32
    return %arg0, %c0_i32 : i32, i32
  }
  func.func @transform_13(%arg0: i32) -> (i32, i32) {
    %c0_i32 = arith.constant 0 : i32
    %c0_i32_0 = arith.constant 0 : i32
    return %arg0, %c0_i32 : i32, i32
  }
}

</mosaic_0001>

<sc_bundles>
// kernel: kernel.4.cloned.1.call-start
scs
__scs_entry_jumppad:
0x0: {  	(pc) =	sbr.rel $0x88, $3  }
0x1: {  	(tag) =	ssettag $0x0;
	lr =	simm.s32 $0x1  }
0x2: {  	[smem:$0x3F97] =	sst lr;
	_ =	strace $0xD0000000  }
0x3: {  	_ = 	snop  }
0x4: {  	_ = 	snop  }
0x5: {  	_ = 	snop  }
0x6: {  	_ = 	snop  }
0x7: {  	_ = 	snop  }
__scs_overlays_trampoline_lowered:
0x8: {  	[smem:$0x3FA6] =	sst s0  }
0x9: {  	[smem:$0x3FA7] =	sst s1  }
0xa: {  	[smem:$0x3FA8] =	sst s2  }
0xb: {  	[smem:$0x3FA9] =	sst s3  }
0xc: {  	[smem:$0x3FAA] =	sst s4  }
0xd: {  	[smem:$0x3FAB] =	sst s5  }
0xe: {  	[smem:$0x3FAC] =	sst s6  }
0xf: {  	[smem:$0x3FAD] =	sst s7  }
0x10: {  	[smem:$0x3FAE] =	sst s8  }
0x11: {  	[smem:$0x3FAF] =	sst s9;
	s0 =	simm.s32 @!p0 $0x0  }
0x12: {  	s1 =	sld [smem:$0x3F95];
	s0 =	simm.s32 @p0 $0x1  }
0x13: {  	[smem:$0x3FB0] =	sst s0;
	s0 =	simm.s32 @!p1 $0x0  }
0x14: {  	s2 =	sld [smem:$0x3F94];
	s0 =	simm.s32 @p1 $0x1  }
0x15: {  	[smem:$0x3FB1] =	sst s0;
	s0 =	simm.s32 @!p2 $0x0  }
0x16: {  	s3 =	sld [smem:$0x3FDB];
	s0 =	simm.s32 @p2 $0x1  }
0x17: {  	s4 =	simm.s32 $0x1BF5;
	[smem:$0x3FB3] =	sst s0  }
0x18: {  	s0 =	sld [smem:$0x3F96];
	_ =	swait.ge [sflag:s4], $0x0  }
0x19: {  	s7 =	sld [smem:$0x3F97]  }
0x1a: {  	s8 =	sadd.s32 $0xFFFFE003, lr  }
0x1b: {  	s9 =	sadd.s32 $0xFFFFFEF7, lr;
	s5 =	simm.s32 $0xFFFFFFFF;
	p2 =	slt.u32 s8, $0xFFFFF086  }
0x1c: {  	p1 =	slt.u32 s9, $0xF7A;
	s5 =	simm.s32 @!p2 $0x0  }
0x1d: {  	s5 =	simm.s32 @p1 $0x1;
	p0 =	seq.s32 s7, s2  }
0x1e: {  	s7 =	smul.u32 @!p0 $0xF7A, s2;
	p2 =	seq.s32 @!p0 s5, $0x0  }
0x1f: {  	s9 =	smul.u32 $0xF7A, s1;
	s8 =	simm.s32 @!p0 $0x1BF5;
	p2 =	por !p2, p0  }
0x20: {  	[sflag:s8] =	ssyncset.s32 @!p0 $0xFFFFF086;
	s6 =	sadd.s32 @!p0 s3, s7;
	s7 =	simm.s32 @!p0 $0x108  }
0x21: {  	s3 =	sadd.s32 s3, s9;
	s6 =	sadd.s32 @!p0 $0x88, s6;
	s7 =	simm.s32 @p2 $0x1082  }
0x22: {  	[simem:s7], [sflag:s8] =	dma.local @!p0 [hbm:s6], $0xF7A  }
0x23: {  	s9 =	sor.u32 $0xD0000000, s2;
	s6 =	simm.s32 $0x108;
	_ =	swait.ge @!p0 [sflag:s8], $0x0  }
0x24: {  	s3 =	sadd.s32 $0x88, s3;
	s6 =	simm.s32 @!p1 $0x1082;
	[sflag:s4] =	ssyncset.s32 $0xFFFFF086  }
0x25: {  	[simem:s6], [sflag:s4] =	dma.local [hbm:s3], $0xF7A  }
0x26: {  	[smem:$0x3F97] =	sst s1;
	(tag) =	ssettag s2;
	_ =	strace s9  }
0x27: {  	s1 =	sld [smem:$0x3FA7]  }
0x28: {  	s2 =	sld [smem:$0x3FA8]  }
0x29: {  	s4 =	sld [smem:$0x3FAA]  }
0x2a: {  	p0 =	seq.s32 s5, $0x0;
	s5 =	sld [smem:$0x3FAB]  }
0x2b: {  	s6 =	sld [smem:$0x3FAC]  }
0x2c: {  	s7 =	sld [smem:$0x3FAD]  }
0x2d: {  	s3 =	simm.s32 $0x108;
	s8 =	sld [smem:$0x3FAE]  }
0x2e: {  	s3 =	simm.s32 @!p0 $0x1082;
	s9 =	sld [smem:$0x3FAF]  }
0x2f: {  	lr =	sadd.s32 s0, s3;
	s0 =	sld [smem:$0x3FA6]  }
0x30: {  	s3 =	sld [smem:$0x3FA9]  }
0x31: {  	[smem:$0x3FB2] =	sst s10  }
0x32: {  	s10 =	sld [smem:$0x3FB0];
	_ =	sdelay $0x3  }
0x33: {  	p0 =	seq.s32 s10, $0x1;
	s10 =	sld [smem:$0x3FB2];
	_ =	sdelay $0x3  }
0x34: {  	[smem:$0x3FB2] =	sst s10  }
0x35: {  	s10 =	sld [smem:$0x3FB1];
	_ =	sdelay $0x3  }
0x36: {  	p1 =	seq.s32 s10, $0x1;
	s10 =	sld [smem:$0x3FB2];
	_ =	sdelay $0x3  }
0x37: {  	[smem:$0x3FB2] =	sst s10  }
0x38: {  	s10 =	sld [smem:$0x3FB3]  }
0x39: {  	_ = 	snop;
	(pc) =	sbr.ind lr, $3  }
0x3a: {  	_ = 	snop  }
0x3b: {  	_ = 	snop  }
0x3c: {  	p2 =	seq.s32 s10, $0x1;
	s10 =	sld [smem:$0x3FB2]  }
0x3d: {  	_ =	shalt  }
0x3e: {  	_ =	shalt  }
0x3f: {  	_ =	shalt  }
0x40: {  	_ =	shalt  }
0x41: {  	_ =	shalt  }
0x42: {  	_ =	shalt  }
0x43: {  	_ =	shalt  }
0x44: {  	_ =	shalt  }
0x45: {  	_ =	shalt  }
0x46: {  	_ =	shalt  }
0x47: {  	_ =	shalt  }
0x48: {  	_ =	shalt  }
0x49: {  	_ =	shalt  }
0x4a: {  	_ =	shalt  }
0x4b: {  	_ =	shalt  }
0x4c: {  	_ =	shalt  }
0x4d: {  	_ =	shalt  }
0x4e: {  	_ =	shalt  }
0x4f: {  	_ =	shalt  }
0x50: {  	_ =	shalt  }
0x51: {  	_ =	shalt  }
0x52: {  	_ =	shalt  }
0x53: {  	_ =	shalt  }
0x54: {  	_ =	shalt  }
0x55: {  	_ =	shalt  }
0x56: {  	_ =	shalt  }
0x57: {  	_ =	shalt  }
0x58: {  	_ =	shalt  }
0x59: {  	_ =	shalt  }
0x5a: {  	_ =	shalt  }
0x5b: {  	_ =	shalt  }
0x5c: {  	_ =	shalt  }
0x5d: {  	_ =	shalt  }
0x5e: {  	_ =	shalt  }
0x5f: {  	_ =	shalt  }
0x60: {  	_ =	shalt  }
0x61: {  	_ =	shalt  }
0x62: {  	_ =	shalt  }
0x63: {  	_ =	shalt  }
0x64: {  	_ =	shalt  }
0x65: {  	_ =	shalt  }
0x66: {  	_ =	shalt  }
0x67: {  	_ =	shalt  }
0x68: {  	_ =	shalt  }
0x69: {  	_ =	shalt  }
0x6a: {  	_ =	shalt  }
0x6b: {  	_ =	shalt  }
0x6c: {  	_ =	shalt  }
0x6d: {  	_ =	shalt  }
0x6e: {  	_ =	shalt  }
0x6f: {  	_ =	shalt  }
0x70: {  	_ =	shalt  }
0x71: {  	_ =	shalt  }
0x72: {  	_ =	shalt  }
0x73: {  	_ =	shalt  }
0x74: {  	_ =	shalt  }
0x75: {  	_ =	shalt  }
0x76: {  	_ =	shalt  }
0x77: {  	_ =	shalt  }
0x78: {  	_ =	shalt  }
0x79: {  	_ =	shalt  }
0x7a: {  	_ =	shalt  }
0x7b: {  	_ =	shalt  }
0x7c: {  	_ =	shalt  }
0x7d: {  	_ =	shalt  }
0x7e: {  	_ =	shalt  }
0x7f: {  	_ =	shalt  }
0x80: {  	_ =	shalt  }
0x81: {  	_ =	shalt  }
0x82: {  	_ =	shalt  }
0x83: {  	_ =	shalt  }
0x84: {  	_ =	shalt  }
0x85: {  	_ =	shalt  }
0x86: {  	_ =	shalt  }
0x87: {  	_ =	shalt  }
.Lfunc_end0:
.L_simem_size_0:
called_computation_lowered:
.L_overlay_start_0:
0x88: {  	s2 =	sld [smem:$0x3FD9]  }
0x89: {  	s3 =	sld [smem:$0x3FFE];
	_ =	sdelay $0x1  }
0x8a: {  	s1 =	srdreg.scid  }
0x8b: {  	s0 =	sand.u32 $0x1, s1  }
0x8c: {  	s14 =	sshll.u32 s0, $0xA;
	s2 =	sadd.s32 s3, s2  }
0x8d: {  	s2 =	sadd.s32 s2, s14  }
0x8e: {  	[smem:$0x3FBE] =	sst s2  }
0x8f: {  	_ = 	snop  }
0x90: {  	s2 =	sld [smem:$0x3FD0];
	_ =	sdelay $0x2  }
0x91: {  	s15 =	simm.s32 $0xA;
	s4 =	simm.s32 $0x10  }
0x92: {  	[smem:s4], [sflag:s15] =	dma.local [hbm:s2], $0x1  }
0x93: {  	_ =	swait.eq [sflag:s15], $0x1  }
0x94: {  	[sflag:s15] =	ssyncset.done $0x0  }
0x95: {  	[sflag:s15] =	ssyncadd.s32 $0xFFFFFFFF  }
0x96: {  	s16 =	sld [smem:$0x11];
	(tm) =	ssettm $0x1  }
0x97: {  	s17 =	sld [smem:$0x3FFB];
	_ =	sdelay $0x3  }
0x98: {  	_ =	strace s17  }
0x99: {  	s3 =	sld [smem:$0x3FFC];
	_ =	sdelay $0x3  }
0x9a: {  	_ =	strace s3  }
0x9b: {  	s3 =	sld [smem:$0x3FFD];
	_ =	sdelay $0x3  }
0x9c: {  	_ =	strace s3  }
0x9d: {  	_ =	strace $0x8FFFFFFF  }
0x9e: {  	s18 =	sld [smem:$0x3FDB];
	_ =	sdelay $0x1  }
0x9f: {  	s19 =	simm.s32 $_scs_section_size  }
0xa0: {  	s5 =	simm.s32 $_size__tile_overlayer_lowered;
	s6 =	simm.s32 $_tile_overlayer_lowered  }
0xa1: {  	s22 =	simm.s32 $0x1BFF;
	s21 =	sshll.u32 s6, $0x1;
	s3 =	sadd.s32 s19, s18  }
0xa2: {  	s7 =	simm.s32 $0x0;
	s20 =	sshll.u32 s5, $0x1;
	s5 =	sadd.s32 s21, s3  }
0xa3: {  	[timem:s7], [sflag:s22] =	dma.local [hbm:s5], s20  }
0xa4: {  	_ =	swait.ge [sflag:s22], s20  }
0xa5: {  	s4 =	ssub.s32 $0x0, s20;
	[sflag:s22] =	ssyncset.done $0x0  }
0xa6: {  	[sflag:s22] =	ssyncadd.s32 s4;
	_ =	sdelay $0x1  }
0xa7: {  	s23 =	simm.s32 $0x1B8B  }
0xa8: {  	_ =	swait.ge [sflag:s23], $0x1  }
0xa9: {  	[sflag:s23] =	ssyncset.done $0x0  }
0xaa: {  	s25 =	simm.s32 $0x1B8E;
	s24 =	sld [smem:$0x3FFE];
	[sflag:s23] =	ssyncadd.s32 $0xFFFFFFFF  }
0xab: {  	s26 =	simm.s32 $execute0_lowered;
	[smem:$0x3FD2] =	sst s25  }
0xac: {  	s5 =	sshll.u32 s26, $0x1;
	_ =	strace $0x80000046;
	[dreg:$0x1] =	wrdreg $0xFFFFFFFF  }
0xad: {  	s28 =	simm.s32 $_size_execute0_lowered;
	s3 =	sadd.s32 s3, s5;
	[dreg:$0x0] =	wrdreg $0x0  }
0xae: {  	s5 =	sshll.u32 s28, $0x1;
	[dreg:$0x2] =	wrdreg s3  }
0xaf: {  	[dreg:$0x3] =	wrdreg s5  }
0xb0: {  	[dreg:$0x4] =	wrdreg $0xC0  }
0xb1: {  	_ =	task [dreg:s7], $0x5FFFF  }
0xb2: {  	[dreg:$0x1] =	wrdreg $0xFFFFFFFF  }
0xb3: {  	[dreg:$0x0] =	wrdreg $0x60  }
0xb4: {  	[dreg:$0x2] =	wrdreg s24  }
0xb5: {  	[dreg:$0x3] =	wrdreg s16  }
0xb6: {  	[dreg:$0x4] =	wrdreg $0x9  }
0xb7: {  	_ =	task.clear_ibuf [dreg:s7], $0x5FFFF;
	_ =	strace $0x90000046  }
0xb8: {  	s29 =	simm.s32 $0x9;
	_ =	strace $0x80000048  }
0xb9: {  	_ =	swait.ge [sflag:s29], $0x1  }
0xba: {  	[sflag:s29] =	ssyncadd.s32 $0xFFFFFFFF  }
0xbb: {  	_ =	strace $0x90000048  }
0xbc: {  	_ =	sfence  }
0xbd: {  	s30 =	sld [smem:$0x0];
	_ =	sdelay $0x2  }
0xbe: {  	s31 =	sshll.u32 s1, $0xD;
	s1 =	sshrl.u32 s1, $0x2  }
0xbf: {  	s3 =	sand.u32 $0x4000, s31;
	s1 =	sadd.s32 s1, s30  }
0xc0: {  	s0 =	sor.u32 s3, s0;
	s1 =	sshll.u32 s1, $0x11  }
0xc1: {  	s0 =	sor.u32 s1, s0  }
0xc2: {  	s0 =	sadd.s32 $0x8F2B, s0  }
0xc3: {  	[sflag:s0] =	ssyncadd.remote.s32 $0x1  }
0xc4: {  	_ =	sfence.sel $0xFFFF  }
0xc5: {  	[dreg:$0x0] =	wrdreg $0xFFFFFFFF;
	(pc) =	sbr.abs _section_cstart, $3  }
0xc6: {  	[dreg:$0x1] =	wrdreg $0xFFFFFFFF  }
0xc7: {  	_ =	task.clear_ibuf [dreg:s7], $0x2FFFF;
	_ =	strace $0x9FFFFFFF  }
0xc8: {  	(tm) =	ssettm $0x7FFFFFFF  }
0xc9: {  	_ =	shalt  }
tec
execute0_lowered:
.L_overlay_start_1:
0x0: {  	(tag) =	ssettag $0x1  }
0x1: {  	s1 =	srdreg.scid;
	s4 =	rddreg [dreg:$0x0]  }
0x2: {  	s0 =	stileid.u32;
	s6 =	rddreg [dreg:$0x1];
	s2 =	simm.s32 $0x0  }
0x3: {  	s13 =	simm.s32 $0x2100;
	s14 =	simm.s32 $0x80;
	s15 =	simm.s32 $0x2900  }
0x4: {  	s16 =	simm.s32 $0xC0;
	s17 =	simm.s32 $0x3100;
	s18 =	simm.s32 $0x1  }
0x5: {  	s19 =	simm.s32 $0x2;
	s20 =	simm.s32 $0x3;
	s21 =	simm.s32 $0x4  }
0x6: {  	s22 =	simm.s32 $0x5;
	s23 =	simm.s32 $0x6;
	s24 =	simm.s32 $0x7  }
0x7: {  	s5 =	sand.u32 $0x1, s1;
	s25 =	sshll.u32 s0, $0x1;
	s8 =	smul.u32 $0x64000, s0  }
0x8: {  	[smem:$0x7FF] =	sst s2;
	s9 =	smul.u32 $0x3200, s0;
	s12 =	sadd.s32 $0x1C00, s4  }
0x9: {  	s3 =	sor.u32 s5, s25;
	_ =	strace $0x80000047;
	s11 =	smul.u32 $0x1900, s5  }
0xa: {  	s10 =	ssub.s32 $0x2, s5;
	s5 =	smul.u32 $0x32000, s5;
	s25 =	simm.s32 $0x8  }
0xb: {  	s7 =	smul.u32 $0x1900, s3;
	s3 =	sadd.s32 $0xF44000, s4;
	s26 =	sshrl.u32 s10, $0x1  }
0xc: {  	s10 =	ssub.s32 s10, s26;
	s29 =	sadd.s32 s11, s9;
	s30 =	sadd.s32 s5, s8  }
.Ltmp0:
0xd: {  	s11 =	simm.s32 $0x40;
	s26 =	simm.s32 $0x0;
	(pc) =	sbr.rel .LBB2_1-.Ltmp0, $4  }
0xe: {  	s28 =	sshrl.u32 s7, $0x3;
	s7 =	sshll.u32 s29, $0x2;
	s5 =	smax.u32 s10, $0x1  }
0xf: {  	s4 =	sadd.s32 s6, s28;
	s6 =	sshrl.u32 s30, $0x3;
	s31 =	sadd.s32 s7, s12  }
0x10: {  	s10 =	simm.s32 $0x9;
	s6 =	sadd.s32 s6, s12;
	s7 =	sadd.s32 $0x300, s31  }
0x11: {  	s8 =	sadd.s32 $0x200, s31;
	s9 =	sadd.s32 $0x100, s31;
	s12 =	simm.s32 $0x1900  }
.LBB2_4:
0x12: {  	_ =	swait.ge [sflag:s22], $0x800  }
0x13: {  	[sflag:s22] =	ssyncset.done $0x0  }
0x14: {  	[sflag:s22] =	ssyncadd.s32 $0xFFFFF800  }
0x15: {  	_ =	swait.ge [sflag:s23], $0x800  }
0x16: {  	[sflag:s23] =	ssyncset.done $0x0  }
0x17: {  	s26 =	sadd.s32 $0x1, s26;
	[sflag:s23] =	ssyncadd.s32 $0xFFFFF800  }
0x18: {  	p0 =	sne.s32 s26, s5;
	_ =	swait.ge [sflag:s24], $0x800  }
.Ltmp1:
0x19: {  	[sflag:s24] =	ssyncset.done $0x0;
	(pc) =	sbr.rel @!p0 .LBB2_5-.Ltmp1, $4  }
0x1a: {  	[sflag:s24] =	ssyncadd.s32 $0xFFFFF800  }
0x1b: {  	_ =	swait.ge [sflag:s25], $0x800  }
0x1c: {  	[sflag:s25] =	ssyncset.done $0x0  }
0x1d: {  	[sflag:s25] =	ssyncadd.s32 $0xFFFFF800  }
.LBB2_1:
0x1e: {  	[tilespmem:s2], [sflag:$0x9] =	stream.linear.gather [hbm4b:s4+s2], $0x1900, $0x38;
	[tilespmem:$0x3900] =	vst v63  }
0x1f: {  	_ =	swait.ge [sflag:s10], $0x1900  }
0x20: {  	[sflag:s10] =	ssyncset.done $0x0  }
0x21: {  	[sflag:s10] =	ssyncadd.s32 $0xFFFFE700  }
0x22: {  	[tilespmem:s12], [sflag:$0x1] =	stream.indirect.gather [hbm4b:s3+s11], $0x20, s2, s11, $0xb8;
	[tilespmem:$0x3900] =	vst v63  }
0x23: {  	_ = 	snop  }
0x24: {  	[tilespmem:s13], [sflag:$0x2] =	stream.indirect.gather [hbm4b:s3+s11], $0x20, s11, s11, $0xb8;
	[tilespmem:$0x3900] =	vst v63  }
0x25: {  	_ = 	snop  }
0x26: {  	[tilespmem:s15], [sflag:$0x3] =	stream.indirect.gather [hbm4b:s3+s11], $0x20, s14, s11, $0xb8;
	[tilespmem:$0x3900] =	vst v63  }
0x27: {  	s28 =	simm.s32 $0x0  }
0x28: {  	[tilespmem:s17], [sflag:$0x4] =	stream.indirect.gather [hbm4b:s3+s11], $0x20, s16, s11, $0xb8;
	[tilespmem:$0x3900] =	vst v63  }
.LBB2_2:
0x29: {  	_ =	swait.ge [sflag:s18], $0x800  }
0x2a: {  	[sflag:s18] =	ssyncset.done $0x0  }
0x2b: {  	s29 =	sadd.s32 s28, s6;
	p0 =	seq.s32 s28, $0x6000;
	[sflag:s18] =	ssyncadd.s32 $0xFFFFF800  }
0x2c: {  	[hbm4b:s29+s2] =	stream.linear.scatter [tilespmem:s12], [sflag:$0x5], $0x800, $0x38;
	[tilespmem:$0x3900] =	vst v63  }
0x2d: {  	s29 =	simm.s32 @!p0 $0x5  }
0x2e: {  	_ =	swait.ge @!p0 [sflag:s29], $0x800  }
0x2f: {  	[sflag:s29] =	ssyncset.done @!p0 $0x0  }
0x30: {  	[sflag:s29] =	ssyncadd.s32 @!p0 $0xFFFFF800;
	s29 =	sshra.s32 @!p0 s28, $0x2  }
0x31: {  	s31 =	simm.s32 @!p0 $0x40;
	s1 =	simm.s32 @!p0 $0x1900;
	s30 =	sadd.s32 @!p0 $0x100, s29  }
0x32: {  	[tilespmem:s1], [sflag:$0x1] =	stream.indirect.gather @!p0 [hbm4b:s3+s31], $0x20, s30, s31, $0xb8;
	[tilespmem:$0x3900] =	vst v63  }
0x33: {  	_ =	swait.ge [sflag:s19], $0x800  }
0x34: {  	[sflag:s19] =	ssyncset.done $0x0  }
0x35: {  	s30 =	sadd.s32 s28, s9;
	s1 =	simm.s32 @!p0 $0x6;
	[sflag:s19] =	ssyncadd.s32 $0xFFFFF800  }
0x36: {  	[hbm4b:s30+s2] =	stream.linear.scatter [tilespmem:s13], [sflag:$0x6], $0x800, $0x38;
	[tilespmem:$0x3900] =	vst v63  }
0x37: {  	_ =	swait.ge @!p0 [sflag:s1], $0x800  }
0x38: {  	[sflag:s1] =	ssyncset.done @!p0 $0x0  }
0x39: {  	s30 =	simm.s32 @!p0 $0x2100;
	[sflag:s1] =	ssyncadd.s32 @!p0 $0xFFFFF800;
	s1 =	sadd.s32 @!p0 $0x140, s29  }
0x3a: {  	[tilespmem:s30], [sflag:$0x2] =	stream.indirect.gather @!p0 [hbm4b:s3+s31], $0x20, s1, s31, $0xb8;
	[tilespmem:$0x3900] =	vst v63  }
0x3b: {  	_ =	swait.ge [sflag:s20], $0x800  }
0x3c: {  	[sflag:s20] =	ssyncset.done $0x0  }
0x3d: {  	s30 =	sadd.s32 s28, s8;
	s1 =	simm.s32 @!p0 $0x7;
	[sflag:s20] =	ssyncadd.s32 $0xFFFFF800  }
0x3e: {  	[hbm4b:s30+s2] =	stream.linear.scatter [tilespmem:s15], [sflag:$0x7], $0x800, $0x38;
	[tilespmem:$0x3900] =	vst v63  }
0x3f: {  	_ =	swait.ge @!p0 [sflag:s1], $0x800  }
0x40: {  	[sflag:s1] =	ssyncset.done @!p0 $0x0  }
0x41: {  	[sflag:s1] =	ssyncadd.s32 @!p0 $0xFFFFF800;
	s1 =	sadd.s32 @!p0 $0x180, s29;
	s29 =	simm.s32 @!p0 $0x2900  }
0x42: {  	[tilespmem:s29], [sflag:$0x3] =	stream.indirect.gather @!p0 [hbm4b:s3+s31], $0x20, s1, s31, $0xb8;
	[tilespmem:$0x3900] =	vst v63  }
.Ltmp2:
0x43: {  	_ = 	snop;
	(pc) =	sbr.rel @p0 .LBB2_4-.Ltmp2, $4  }
0x44: {  	_ =	swait.ge [sflag:s21], $0x800  }
0x45: {  	[sflag:s21] =	ssyncset.done $0x0  }
0x46: {  	s31 =	sadd.s32 s28, s7;
	[sflag:s21] =	ssyncadd.s32 $0xFFFFF800  }
0x47: {  	[hbm4b:s31+s2] =	stream.linear.scatter [tilespmem:s17], [sflag:$0x8], $0x800, $0x38;
	[tilespmem:$0x3900] =	vst v63  }
.Ltmp3:
0x48: {  	(pc) =	sbr.rel .LBB2_2-.Ltmp3, $4  }
0x49: {  	_ =	swait.ge [sflag:s25], $0x800  }
0x4a: {  	s1 =	sshra.s32 s28, $0x2;
	[sflag:s25] =	ssyncset.done $0x0  }
0x4b: {  	s28 =	sadd.s32 $0x400, s28;
	s1 =	sadd.s32 $0x1C0, s1;
	[sflag:s25] =	ssyncadd.s32 $0xFFFFF800  }
0x4c: {  	[tilespmem:s17], [sflag:$0x4] =	stream.indirect.gather [hbm4b:s3+s11], $0x20, s1, s11, $0xb8;
	[tilespmem:$0x3900] =	vst v63  }
.LBB2_5:
0x4d: {  	_ =	sfence.sel $0x180000  }
0x4e: {  	[bflag:$0x0] =	sbarrier.arrive $0xFFFF  }
0x4f: {  	_ =	strace $0x90000047  }
0x50: {  	[bflag:$0x2] =	sbarrier.arrive $0xFFFF  }
0x51: {  	p0 =	sne.s32 s0, $0x0;
	s0 =	rddreg [dreg:$0x2]  }
0x52: {  	s0 =	sadd.s32 @!p0 $0x100000, s0  }
0x53: {  	[sflag:s0] =	ssyncadd.tile.s32 @!p0 $0x1;
	_ =	shalt  }
.Lfunc_end2:
_tile_overlayer_lowered:
.L_overlay_start_2:
0x54: {  	(tag) =	ssettag $0x2  }
0x55: {  	s0 =	rddreg [dreg:$0x0];
	s2 =	stileid.u32  }
0x56: {  	s1 =	rddreg [dreg:$0x1];
	p0 =	sne.s32 s2, $0x0  }
0x57: {  	s3 =	rddreg [dreg:$0x2];
	[bflag:$0x3] =	sbarrier.arrive $0xFFFF;
	s2 =	simm.s32 @!p0 $0x1C09  }
0x58: {  	[timem:s3], [sflag:s2] =	dma.local @!p0 [hbm:s0], s1  }
0x59: {  	s0 =	simm.s32 @!p0 $0x9  }
0x5a: {  	_ =	swait.ge @!p0 [sflag:s0], s1  }
0x5b: {  	s1 =	ssub.s32 @!p0 $0x0, s1;
	[sflag:s0] =	ssyncset.done @!p0 $0x0  }
0x5c: {  	[sflag:s0] =	ssyncadd.s32 @!p0 s1  }
0x5d: {  	[bflag:$0x3] =	sbarrier.arrive $0xFFFF  }
0x5e: {  	_ =	shalt  }

</sc_bundles>
